<compile_context>
chip_gen: v7x
topology: tpu7x:2x2x1
jax: 0.10.2.dev20260603
libtpu: 0.0.44.dev20260713+nightly
codegen_flags: <defaults>
</compile_context>

<pallas_src>
import jax
import jax.numpy as jnp
from jax import lax
from jax.experimental import pallas as pl
from jax.experimental.pallas import tpu as pltpu
from jax.experimental.pallas import tpu_sc as plsc

N_NODES = 10000
D_FEAT = 128
N_EDGES = 320000

NC = 2
NS = 16
NW = NC * NS
DH = D_FEAT // NC
CHUNK = 128
N_PAD = 10240
ROWS_PER_TILE = N_PAD // NS
G_ROWS_PER_TILE = 624
NCH = 160
E_PAD = NS * NCH * CHUNK
NBUF = 2

_SC_MESH = dict(core_axis_name="c", subcore_axis_name="s")


def _deg_body(dst_hbm, out_hbm, didx_v, ones_v, zero_v, acc, sem):
    c = lax.axis_index("c")
    s = lax.axis_index("s")
    z16 = jnp.zeros((16,), jnp.float32)
    o16 = jnp.ones((16,), jnp.float32)

    def init_bufs(i, _):
        zero_v[pl.ds(i * 16, 16)] = z16
        return 0

    lax.fori_loop(0, ROWS_PER_TILE // 16, init_bufs, 0)
    for k in range(CHUNK // 16):
        ones_v[pl.ds(k * 16, 16)] = o16
    pltpu.sync_copy(dst_hbm.at[c, s], didx_v)
    pltpu.sync_copy(zero_v, acc.at[pl.ds(s * ROWS_PER_TILE, ROWS_PER_TILE)])
    plsc.subcore_barrier()

    def fire(j, _):
        pltpu.async_copy(ones_v, acc.at[didx_v.at[j]], sem, add=True)
        return 0

    lax.fori_loop(0, NCH // NC, fire, 0)

    def drain(j, _):
        pltpu.make_async_copy(ones_v, acc.at[didx_v.at[0]], sem).wait()
        return 0

    lax.fori_loop(0, NCH // NC, drain, 0)
    plsc.subcore_barrier()
    pltpu.sync_copy(acc.at[pl.ds(s * ROWS_PER_TILE, ROWS_PER_TILE)],
                    out_hbm.at[c, pl.ds(s * ROWS_PER_TILE, ROWS_PER_TILE)])


_deg_call = pl.kernel(
    _deg_body,
    out_type=jax.ShapeDtypeStruct((NC, N_PAD), jnp.float32),
    mesh=plsc.VectorSubcoreMesh(**_SC_MESH),
    scratch_types=[
        pltpu.VMEM((NCH // NC, CHUNK), jnp.int32),
        pltpu.VMEM((CHUNK,), jnp.float32),
        pltpu.VMEM((ROWS_PER_TILE,), jnp.float32),
        pltpu.VMEM_SHARED((N_PAD,), jnp.float32),
        pltpu.SemaphoreType.DMA,
    ],
)


def _scat_body(g0_hbm, g1_hbm, src_hbm, dst_hbm, out_hbm, sidx_v, didx_v,
               rows_v, gsp, acc, isem, dsem, gsem):
    c = lax.axis_index("c")
    s = lax.axis_index("s")
    z16 = jnp.zeros((16,), jnp.float32)

    @pl.when(c == 0)
    def _():
        pltpu.sync_copy(
            g0_hbm.at[pl.ds(s * G_ROWS_PER_TILE, G_ROWS_PER_TILE)],
            gsp.at[pl.ds(s * G_ROWS_PER_TILE, G_ROWS_PER_TILE)])

        @pl.when(s == 0)
        def _():
            tail = NS * G_ROWS_PER_TILE
            pltpu.sync_copy(g0_hbm.at[pl.ds(tail, N_NODES - tail)],
                            gsp.at[pl.ds(tail, N_NODES - tail)])

    @pl.when(c == 1)
    def _():
        pltpu.sync_copy(
            g1_hbm.at[pl.ds(s * G_ROWS_PER_TILE, G_ROWS_PER_TILE)],
            gsp.at[pl.ds(s * G_ROWS_PER_TILE, G_ROWS_PER_TILE)])

        @pl.when(s == 0)
        def _():
            tail = NS * G_ROWS_PER_TILE
            pltpu.sync_copy(g1_hbm.at[pl.ds(tail, N_NODES - tail)],
                            gsp.at[pl.ds(tail, N_NODES - tail)])

    def zero_rows(i, _):
        for k in range(DH // 16):
            rows_v[0, i, pl.ds(k * 16, 16)] = z16
        return 0

    lax.fori_loop(0, CHUNK, zero_rows, 0)
    for j in range(ROWS_PER_TILE // CHUNK):
        pltpu.sync_copy(
            rows_v.at[0], acc.at[pl.ds(s * ROWS_PER_TILE + j * CHUNK, CHUNK)])
    pltpu.async_copy(src_hbm.at[s, 0], sidx_v.at[0], isem)
    pltpu.async_copy(src_hbm.at[s, 1], sidx_v.at[1], isem)
    pltpu.async_copy(dst_hbm.at[s, 0], didx_v.at[0], dsem)
    pltpu.async_copy(dst_hbm.at[s, 1], didx_v.at[1], dsem)
    plsc.subcore_barrier()
    pltpu.make_async_copy(src_hbm.at[0, 0], sidx_v.at[0], isem).wait()
    pltpu.async_copy(gsp.at[sidx_v.at[0]], rows_v.at[0], gsem)

    def step(jg, _):
        for b in range(NBUF):
            j = jg * NBUF + b
            rows_b = rows_v.at[b]
            nb = (b + 1) % NBUF

            pltpu.make_async_copy(gsp.at[sidx_v.at[b]], rows_b, gsem).wait()

            @pl.when(j + 1 < NCH)
            def _():
                pltpu.make_async_copy(
                    src_hbm.at[0, 0], sidx_v.at[nb], isem).wait()
                pltpu.async_copy(gsp.at[sidx_v.at[nb]], rows_v.at[nb], gsem)

            @pl.when(j + NBUF < NCH)
            def _():
                pltpu.async_copy(src_hbm.at[s, j + NBUF], sidx_v.at[b], isem)

            pltpu.make_async_copy(dst_hbm.at[0, 0], didx_v.at[b], dsem).wait()
            pltpu.sync_copy(rows_b, acc.at[didx_v.at[b]], add=True)

            @pl.when(j + NBUF < NCH)
            def _():
                pltpu.async_copy(dst_hbm.at[s, j + NBUF], didx_v.at[b], dsem)

        return 0

    lax.fori_loop(0, NCH // NBUF, step, 0)
    plsc.subcore_barrier()
    pltpu.sync_copy(acc.at[pl.ds(s * ROWS_PER_TILE, ROWS_PER_TILE)],
                    out_hbm.at[c, pl.ds(s * ROWS_PER_TILE, ROWS_PER_TILE)])


_scat_call = pl.kernel(
    _scat_body,
    out_type=jax.ShapeDtypeStruct((NC, N_PAD, DH), jnp.float32),
    mesh=plsc.VectorSubcoreMesh(**_SC_MESH),
    compiler_params=pltpu.CompilerParams(use_tc_tiling_on_sc=False),
    scratch_types=[
        pltpu.VMEM((NBUF, CHUNK), jnp.int32),
        pltpu.VMEM((NBUF, CHUNK), jnp.int32),
        pltpu.VMEM((NBUF, CHUNK, DH), jnp.float32),
        pltpu.VMEM_SHARED((N_NODES, DH), jnp.float32),
        pltpu.VMEM_SHARED((N_PAD, DH), jnp.float32),
        pltpu.SemaphoreType.DMA,
        pltpu.SemaphoreType.DMA,
        pltpu.SemaphoreType.DMA,
    ],
)


_R = 1024


def _mm_scale_body(x_ref, w_ref, deg_ref, g_ref):
    h = jnp.dot(x_ref[...], w_ref[...], preferred_element_type=jnp.float32)
    deg = deg_ref[0, :] + deg_ref[1, :] + 1.0
    dinv = lax.rsqrt(deg)
    g = h * dinv[:, None]
    g_ref[0] = g[:, :DH]
    g_ref[1] = g[:, DH:]


def _mm_scale(x, W, deg01):
    return pl.pallas_call(
        _mm_scale_body,
        grid=(N_PAD // _R,),
        in_specs=[
            pl.BlockSpec((_R, D_FEAT), lambda i: (i, 0)),
            pl.BlockSpec((D_FEAT, D_FEAT), lambda i: (0, 0)),
            pl.BlockSpec((NC, _R), lambda i: (0, i)),
        ],
        out_specs=pl.BlockSpec((NC, _R, DH), lambda i: (0, i, 0)),
        out_shape=jax.ShapeDtypeStruct((NC, N_NODES, DH), jnp.float32),
    )(x, W, deg01)


def _epi_body(scat_ref, g_ref, deg_ref, b_ref, w2_ref, b2_ref, out_ref):
    deg = deg_ref[0, :] + deg_ref[1, :] + 1.0
    dinv = lax.rsqrt(deg)
    scat = jnp.concatenate([scat_ref[0], scat_ref[1]], axis=1)
    g = jnp.concatenate([g_ref[0], g_ref[1]], axis=1)
    agg = dinv[:, None] * (scat + g)
    z = jax.nn.relu(agg + b_ref[...])
    logits = jnp.sum(z * w2_ref[...], axis=1, keepdims=True) + b2_ref[...]
    out_ref[...] = jax.nn.sigmoid(logits)


def _epilogue(scat, g, deg01, b, W2, b2):
    return pl.pallas_call(
        _epi_body,
        grid=(N_PAD // _R,),
        in_specs=[
            pl.BlockSpec((NC, _R, DH), lambda i: (0, i, 0)),
            pl.BlockSpec((NC, _R, DH), lambda i: (0, i, 0)),
            pl.BlockSpec((NC, _R), lambda i: (0, i)),
            pl.BlockSpec((1, D_FEAT), lambda i: (0, 0)),
            pl.BlockSpec((1, D_FEAT), lambda i: (0, 0)),
            pl.BlockSpec((1, 1), lambda i: (0, 0)),
        ],
        out_specs=pl.BlockSpec((_R, 1), lambda i: (i, 0)),
        out_shape=jax.ShapeDtypeStruct((N_NODES, 1), jnp.float32),
    )(scat, g, deg01, b, W2, b2)


def kernel(x, edge_index, W, b, W2, b2):
    src = edge_index[0].astype(jnp.int32)
    dst = edge_index[1].astype(jnp.int32)
    npad = E_PAD - N_EDGES
    pad_src = jnp.arange(npad, dtype=jnp.int32) % N_NODES
    src_p = jnp.concatenate([src, pad_src])
    dump = N_NODES + jnp.arange(npad, dtype=jnp.int32) % (N_PAD - N_NODES)
    dst_p = jnp.concatenate([dst, dump])
    src_p = src_p.reshape(NS, NCH, CHUNK)
    dst_p = dst_p.reshape(NS, NCH, CHUNK)
    dst_h = dst_p.reshape(NC, NS, NCH // NC, CHUNK)

    deg01 = _deg_call(dst_h)
    g = _mm_scale(x, W, deg01)
    scat = _scat_call(g[0], g[1], src_p, dst_p)
    return _epilogue(scat, g, deg01, b.reshape(1, D_FEAT),
                     W2.reshape(1, D_FEAT), b2.reshape(1, 1))

# --- scband reference (transcript-rebuilt; emitter-appended) ---
"""Pipeline reference for scband-gcnclassifier-33861522161794 (READ-ONLY COPY).

The authoritative reference and input builder live on the scoring server;
editing this copy changes nothing except your own understanding.
"""

import jax, jax.numpy as jnp
import numpy as np

N_NODES = 10000
N_EDGES = 320000
D_FEAT = 128

def setup_inputs(seed: int = 0) -> dict:
    key = jax.random.key(seed)
    k1, k2, k3, k4, k5, k6 = jax.random.split(key, 6)
    x = jax.random.normal(k1, (N_NODES, D_FEAT), dtype=jnp.float32)
    edge_index = jax.random.randint(k2, (2, N_EDGES), 0, N_NODES, dtype=jnp.int64)
    # GCNConv weight (in=out=D_FEAT) + bias
    W = jax.random.normal(k3, (D_FEAT, D_FEAT), dtype=jnp.float32) * (1.0 / np.sqrt(D_FEAT))
    b = jnp.zeros((D_FEAT,), dtype=jnp.float32)
    # final Linear(D_FEAT -> 1)
    W2 = jax.random.normal(k4, (D_FEAT, 1), dtype=jnp.float32) * (1.0 / np.sqrt(D_FEAT))
    b2 = jnp.zeros((1,), dtype=jnp.float32)
    return {"x": x, "edge_index": edge_index, "W": W, "b": b, "W2": W2, "b2": b2}

def _gcn_conv(x, edge_index, W, b):
    N = x.shape[0]
    src = edge_index[0]
    dst = edge_index[1]
    # add self loops
    loop = jnp.arange(N, dtype=edge_index.dtype)
    src = jnp.concatenate([src, loop])
    dst = jnp.concatenate([dst, loop])
    # symmetric normalization: deg computed on dst after self loops
    deg = jnp.zeros((N,), dtype=x.dtype).at[dst].add(1.0)
    deg_inv_sqrt = jnp.where(deg > 0, 1.0 / jnp.sqrt(deg), 0.0)
    norm = deg_inv_sqrt[src] * deg_inv_sqrt[dst]
    # linear transform then propagate
    h = x @ W
    msg = h[src] * norm[:, None]
    agg = jnp.zeros((N, h.shape[1]), dtype=x.dtype).at[dst].add(msg)
    return agg + b

def reference(x, edge_index, W, b, W2, b2):
    h = jax.nn.relu(_gcn_conv(x, edge_index, W, b))
    out = jax.nn.sigmoid(h @ W2 + b2)
    return out

if __name__ == "__main__":
    import jax
    _d = setup_inputs()
    print(jax.jit(kernel)(*tuple(_d.values())))

</pallas_src>

<mosaic_0001>
#map = affine_map<(d0, d1) -> (0, 0, 0, 0)>
#map1 = affine_map<(d0, d1) -> (0, 0)>
module attributes {stable_mosaic.version = 14 : i64} {
  func.func @_deg_body(%arg0: i32, %arg1: i32, %arg2: memref<2x16x80x128xi32, #tpu.memory_space<hbm>>, %arg3: memref<2x10240xf32, #tpu.memory_space<hbm>>, %arg4: memref<80x128xi32, #tpu.memory_space<vmem>>, %arg5: memref<128xf32, #tpu.memory_space<vmem>>, %arg6: memref<640xf32, #tpu.memory_space<vmem>>, %arg7: memref<10240xf32, #tpu.memory_space<vmem_shared>>, %arg8: memref<!tpu.dma_semaphore, #tpu.memory_space<semaphore_mem>>) attributes {dimension_semantics = [#tpu.dimension_semantics<core_parallel>, #tpu.dimension_semantics<subcore_parallel>], iteration_bounds = array<i64: 2, 16>, scalar_prefetch = 0 : i64, scratch_operands = 5 : i64, tpu.core_type = #tpu.core_type<sc_vector_subcore>, window_params = [{transform_indices = #map}, {transform_indices = #map1}]} {
    %broadcast_in_dim3A = arith.constant 0.000000e+00 : f32
    %broadcast_in_dim3A_0 = vector.broadcast %broadcast_in_dim3A : f32 to vector<16xf32>
    %broadcast_in_dim3A_1 = arith.constant 1.000000e+00 : f32
    %broadcast_in_dim3A_2 = vector.broadcast %broadcast_in_dim3A_1 : f32 to vector<16xf32>
    %scan3A = arith.constant 0 : i32
    %scan3A_3 = arith.constant 0 : i32
    %scan3A_4 = arith.constant 40 : i32
    %scan3A_5 = arith.addi %scan3A_3, %scan3A_4 : i32
    %scan3A_6 = arith.constant 1 : i32
    %scan3A_7 = scf.for %scan3A_60 = %scan3A_3 to %scan3A_5 step %scan3A_6 iter_args(%scan3A_61 = %scan3A) -> (i32)  : i32 {
      %mul3A_62 = arith.constant 16 : i32
      %mul3A_63 = arith.muli %scan3A_60, %mul3A_62 : i32
      %swap3A_64 = arith.index_cast %mul3A_63 : i32 to index
      %swap3A_65 = tpu.vector_load %arg6[%swap3A_64] {strides = array<i32>} : memref<640xf32, #tpu.memory_space<vmem>>, vector<16xf32>,
      %swap3A_66 = vector.shape_cast %swap3A_65 : vector<16xf32> to vector<16xf32>
      %swap3A_67 = vector.shape_cast %broadcast_in_dim3A_0 : vector<16xf32> to vector<16xf32>
      tpu.vector_store %arg6[%swap3A_64], %swap3A_67 {strides = array<i32>} : memref<640xf32, #tpu.memory_space<vmem>>, vector<16xf32>,
      %scan3A_68 = arith.constant 0 : i32
      scf.yield %scan3A_68 : i32
    }
    %scan3A_8 = arith.constant 40 : i32
    %swap3A = arith.constant 0 : index
    %swap3A_9 = tpu.vector_load %arg5[%swap3A] {strides = array<i32>} : memref<128xf32, #tpu.memory_space<vmem>>, vector<16xf32>,
    %swap3A_10 = vector.shape_cast %swap3A_9 : vector<16xf32> to vector<16xf32>
    %swap3A_11 = vector.shape_cast %broadcast_in_dim3A_2 : vector<16xf32> to vector<16xf32>
    tpu.vector_store %arg5[%swap3A], %swap3A_11 {strides = array<i32>} : memref<128xf32, #tpu.memory_space<vmem>>, vector<16xf32>,
    %swap3A_12 = arith.constant 16 : index
    %swap3A_13 = tpu.vector_load %arg5[%swap3A_12] {strides = array<i32>} : memref<128xf32, #tpu.memory_space<vmem>>, vector<16xf32>,
    %swap3A_14 = vector.shape_cast %swap3A_13 : vector<16xf32> to vector<16xf32>
    %swap3A_15 = vector.shape_cast %broadcast_in_dim3A_2 : vector<16xf32> to vector<16xf32>
    tpu.vector_store %arg5[%swap3A_12], %swap3A_15 {strides = array<i32>} : memref<128xf32, #tpu.memory_space<vmem>>, vector<16xf32>,
    %swap3A_16 = arith.constant 32 : index
    %swap3A_17 = tpu.vector_load %arg5[%swap3A_16] {strides = array<i32>} : memref<128xf32, #tpu.memory_space<vmem>>, vector<16xf32>,
    %swap3A_18 = vector.shape_cast %swap3A_17 : vector<16xf32> to vector<16xf32>
    %swap3A_19 = vector.shape_cast %broadcast_in_dim3A_2 : vector<16xf32> to vector<16xf32>
    tpu.vector_store %arg5[%swap3A_16], %swap3A_19 {strides = array<i32>} : memref<128xf32, #tpu.memory_space<vmem>>, vector<16xf32>,
    %swap3A_20 = arith.constant 48 : index
    %swap3A_21 = tpu.vector_load %arg5[%swap3A_20] {strides = array<i32>} : memref<128xf32, #tpu.memory_space<vmem>>, vector<16xf32>,
    %swap3A_22 = vector.shape_cast %swap3A_21 : vector<16xf32> to vector<16xf32>
    %swap3A_23 = vector.shape_cast %broadcast_in_dim3A_2 : vector<16xf32> to vector<16xf32>
    tpu.vector_store %arg5[%swap3A_20], %swap3A_23 {strides = array<i32>} : memref<128xf32, #tpu.memory_space<vmem>>, vector<16xf32>,
    %swap3A_24 = arith.constant 64 : index
    %swap3A_25 = tpu.vector_load %arg5[%swap3A_24] {strides = array<i32>} : memref<128xf32, #tpu.memory_space<vmem>>, vector<16xf32>,
    %swap3A_26 = vector.shape_cast %swap3A_25 : vector<16xf32> to vector<16xf32>
    %swap3A_27 = vector.shape_cast %broadcast_in_dim3A_2 : vector<16xf32> to vector<16xf32>
    tpu.vector_store %arg5[%swap3A_24], %swap3A_27 {strides = array<i32>} : memref<128xf32, #tpu.memory_space<vmem>>, vector<16xf32>,
    %swap3A_28 = arith.constant 80 : index
    %swap3A_29 = tpu.vector_load %arg5[%swap3A_28] {strides = array<i32>} : memref<128xf32, #tpu.memory_space<vmem>>, vector<16xf32>,
    %swap3A_30 = vector.shape_cast %swap3A_29 : vector<16xf32> to vector<16xf32>
    %swap3A_31 = vector.shape_cast %broadcast_in_dim3A_2 : vector<16xf32> to vector<16xf32>
    tpu.vector_store %arg5[%swap3A_28], %swap3A_31 {strides = array<i32>} : memref<128xf32, #tpu.memory_space<vmem>>, vector<16xf32>,
    %swap3A_32 = arith.constant 96 : index
    %swap3A_33 = tpu.vector_load %arg5[%swap3A_32] {strides = array<i32>} : memref<128xf32, #tpu.memory_space<vmem>>, vector<16xf32>,
    %swap3A_34 = vector.shape_cast %swap3A_33 : vector<16xf32> to vector<16xf32>
    %swap3A_35 = vector.shape_cast %broadcast_in_dim3A_2 : vector<16xf32> to vector<16xf32>
    tpu.vector_store %arg5[%swap3A_32], %swap3A_35 {strides = array<i32>} : memref<128xf32, #tpu.memory_space<vmem>>, vector<16xf32>,
    %swap3A_36 = arith.constant 112 : index
    %swap3A_37 = tpu.vector_load %arg5[%swap3A_36] {strides = array<i32>} : memref<128xf32, #tpu.memory_space<vmem>>, vector<16xf32>,
    %swap3A_38 = vector.shape_cast %swap3A_37 : vector<16xf32> to vector<16xf32>
    %swap3A_39 = vector.shape_cast %broadcast_in_dim3A_2 : vector<16xf32> to vector<16xf32>
    tpu.vector_store %arg5[%swap3A_36], %swap3A_39 {strides = array<i32>} : memref<128xf32, #tpu.memory_space<vmem>>, vector<16xf32>,
    "tpu.region"() ({
      %run_scoped3A = tpu.sem_alloc : memref<!tpu.dma_semaphore, #tpu.memory_space<semaphore_mem>>
      %dma_start3A = arith.constant 0 : i32
      %dma_start3A_60 = arith.constant 0 : i32
      %dma_start3A_61 = tpu.memref_slice %arg2[%arg0, %arg1, %dma_start3A, %dma_start3A_60] : memref<2x16x80x128xi32, #tpu.memory_space<hbm>> -> memref<1x1x80x128xi32, #tpu.memory_space<hbm>>
      %dma_start3A_62 = tpu.memref_squeeze %dma_start3A_61 : memref<1x1x80x128xi32, #tpu.memory_space<hbm>> -> memref<80x128xi32, #tpu.memory_space<hbm>>
      %dma_start3A_63 = arith.constant 0 : i32
      %dma_start3A_64 = arith.constant 0 : i32
      %dma_start3A_65 = tpu.memref_slice %arg2[%arg0, %arg1, %dma_start3A_63, %dma_start3A_64] : memref<2x16x80x128xi32, #tpu.memory_space<hbm>> -> memref<1x1x80x128xi32, #tpu.memory_space<hbm>>
      %dma_start3A_66 = tpu.memref_squeeze %dma_start3A_65 : memref<1x1x80x128xi32, #tpu.memory_space<hbm>> -> memref<80x128xi32, #tpu.memory_space<hbm>>
      tpu.enqueue_dma source(%dma_start3A_66 : memref<80x128xi32, #tpu.memory_space<hbm>>) target(%arg4 : memref<80x128xi32, #tpu.memory_space<vmem>>) target_semaphore(%run_scoped3A : memref<!tpu.dma_semaphore, #tpu.memory_space<semaphore_mem>>)
      %dma_wait3A = arith.constant 0 : i32
      %dma_wait3A_67 = arith.constant 0 : i32
      %dma_wait3A_68 = tpu.memref_slice %arg2[%arg0, %arg1, %dma_wait3A, %dma_wait3A_67] : memref<2x16x80x128xi32, #tpu.memory_space<hbm>> -> memref<1x1x80x128xi32, #tpu.memory_space<hbm>>
      %dma_wait3A_69 = tpu.memref_squeeze %dma_wait3A_68 : memref<1x1x80x128xi32, #tpu.memory_space<hbm>> -> memref<80x128xi32, #tpu.memory_space<hbm>>
      %dma_wait3A_70 = arith.constant 0 : i32
      %dma_wait3A_71 = arith.constant 0 : i32
      %dma_wait3A_72 = tpu.memref_slice %arg2[%arg0, %arg1, %dma_wait3A_70, %dma_wait3A_71] : memref<2x16x80x128xi32, #tpu.memory_space<hbm>> -> memref<1x1x80x128xi32, #tpu.memory_space<hbm>>
      %dma_wait3A_73 = tpu.memref_squeeze %dma_wait3A_72 : memref<1x1x80x128xi32, #tpu.memory_space<hbm>> -> memref<80x128xi32, #tpu.memory_space<hbm>>
      tpu.wait_dma2 semaphore(%run_scoped3A : memref<!tpu.dma_semaphore, #tpu.memory_space<semaphore_mem>>) src(%dma_wait3A_73 : memref<80x128xi32, #tpu.memory_space<hbm>>) dst(%arg4 : memref<80x128xi32, #tpu.memory_space<vmem>>)
      tpu.yield
    }) : () -> ()
    %mul3A = arith.constant 640 : i32
    %mul3A_40 = arith.muli %arg1, %mul3A : i32
    "tpu.region"() ({
      %run_scoped3A = tpu.sem_alloc : memref<!tpu.dma_semaphore, #tpu.memory_space<semaphore_mem>>
      %dma_start3A = tpu.memref_slice %arg7[%mul3A_40] : memref<10240xf32, #tpu.memory_space<vmem_shared>> -> memref<640xf32, #tpu.memory_space<vmem_shared>>
      %dma_start3A_60 = tpu.memref_slice %arg7[%mul3A_40] : memref<10240xf32, #tpu.memory_space<vmem_shared>> -> memref<640xf32, #tpu.memory_space<vmem_shared>>
      tpu.enqueue_dma source(%arg6 : memref<640xf32, #tpu.memory_space<vmem>>) target(%dma_start3A_60 : memref<640xf32, #tpu.memory_space<vmem_shared>>) target_semaphore(%run_scoped3A : memref<!tpu.dma_semaphore, #tpu.memory_space<semaphore_mem>>)
      %dma_wait3A = tpu.memref_slice %arg7[%mul3A_40] : memref<10240xf32, #tpu.memory_space<vmem_shared>> -> memref<640xf32, #tpu.memory_space<vmem_shared>>
      %dma_wait3A_61 = tpu.memref_slice %arg7[%mul3A_40] : memref<10240xf32, #tpu.memory_space<vmem_shared>> -> memref<640xf32, #tpu.memory_space<vmem_shared>>
      tpu.wait_dma2 semaphore(%run_scoped3A : memref<!tpu.dma_semaphore, #tpu.memory_space<semaphore_mem>>) src(%arg6 : memref<640xf32, #tpu.memory_space<vmem>>) dst(%dma_wait3A_61 : memref<640xf32, #tpu.memory_space<vmem_shared>>)
      tpu.yield
    }) : () -> ()
    %barrier3A = arith.constant 0 : index
    tpu.barrier barrier_id(%barrier3A)
    %scan3A_41 = arith.constant 0 : i32
    %scan3A_42 = arith.constant 0 : i32
    %scan3A_43 = arith.constant 80 : i32
    %scan3A_44 = arith.addi %scan3A_42, %scan3A_43 : i32
    %scan3A_45 = arith.constant 1 : i32
    %scan3A_46 = scf.for %scan3A_60 = %scan3A_42 to %scan3A_44 step %scan3A_45 iter_args(%scan3A_61 = %scan3A_41) -> (i32)  : i32 {
      %dma_start3A = arith.constant 0 : i32
      %dma_start3A_62 = tpu.memref_slice %arg4[%scan3A_60, %dma_start3A] : memref<80x128xi32, #tpu.memory_space<vmem>> -> memref<1x128xi32, #tpu.memory_space<vmem>>
      %dma_start3A_63 = tpu.memref_squeeze %dma_start3A_62 : memref<1x128xi32, #tpu.memory_space<vmem>> -> memref<128xi32, #tpu.memory_space<vmem>>
      %dma_start3A_64 = arith.constant 0 : i32
      %dma_start3A_65 = tpu.memref_slice %arg7[%dma_start3A_64] : memref<10240xf32, #tpu.memory_space<vmem_shared>> -> memref<10240xf32, #tpu.memory_space<vmem_shared>>
      tpu.enqueue_indirect_dma source(%arg5 : memref<128xf32, #tpu.memory_space<vmem>>) target(%dma_start3A_65 : memref<10240xf32, #tpu.memory_space<vmem_shared>>) offsets(%dma_start3A_63 : memref<128xi32, #tpu.memory_space<vmem>>) semaphore(%arg8 : memref<!tpu.dma_semaphore, #tpu.memory_space<semaphore_mem>>) {add = true}
      %scan3A_66 = arith.constant 0 : i32
      scf.yield %scan3A_66 : i32
    }
    %scan3A_47 = arith.constant 80 : i32
    %scan3A_48 = arith.constant 0 : i32
    %scan3A_49 = arith.constant 0 : i32
    %scan3A_50 = arith.constant 80 : i32
    %scan3A_51 = arith.addi %scan3A_49, %scan3A_50 : i32
    %scan3A_52 = arith.constant 1 : i32
    %scan3A_53 = scf.for %scan3A_60 = %scan3A_49 to %scan3A_51 step %scan3A_52 iter_args(%scan3A_61 = %scan3A_48) -> (i32)  : i32 {
      %dma_wait3A = arith.constant 0 : i32
      %dma_wait3A_62 = arith.constant 0 : i32
      %dma_wait3A_63 = tpu.memref_slice %arg4[%dma_wait3A, %dma_wait3A_62] : memref<80x128xi32, #tpu.memory_space<vmem>> -> memref<1x128xi32, #tpu.memory_space<vmem>>
      %dma_wait3A_64 = tpu.memref_squeeze %dma_wait3A_63 : memref<1x128xi32, #tpu.memory_space<vmem>> -> memref<128xi32, #tpu.memory_space<vmem>>
      %dma_wait3A_65 = arith.constant 0 : i32
      %dma_wait3A_66 = tpu.memref_slice %arg7[%dma_wait3A_65] : memref<10240xf32, #tpu.memory_space<vmem_shared>> -> memref<10240xf32, #tpu.memory_space<vmem_shared>>
      tpu.wait_indirect_dma semaphore(%arg8 : memref<!tpu.dma_semaphore, #tpu.memory_space<semaphore_mem>>) src(%arg5 : memref<128xf32, #tpu.memory_space<vmem>>) dst(%dma_wait3A_66 : memref<10240xf32, #tpu.memory_space<vmem_shared>>)
      %scan3A_67 = arith.constant 0 : i32
      scf.yield %scan3A_67 : i32
    }
    %scan3A_54 = arith.constant 80 : i32
    %barrier3A_55 = arith.constant 0 : index
    tpu.barrier barrier_id(%barrier3A_55)
    %mul3A_56 = arith.constant 640 : i32
    %mul3A_57 = arith.muli %arg1, %mul3A_56 : i32
    %mul3A_58 = arith.constant 640 : i32
    %mul3A_59 = arith.muli %arg1, %mul3A_58 : i32
    "tpu.region"() ({
      %run_scoped3A = tpu.sem_alloc : memref<!tpu.dma_semaphore, #tpu.memory_space<semaphore_mem>>
      %dma_start3A = tpu.memref_slice %arg3[%arg0, %mul3A_59] : memref<2x10240xf32, #tpu.memory_space<hbm>> -> memref<1x640xf32, #tpu.memory_space<hbm>>
      %dma_start3A_60 = tpu.memref_squeeze %dma_start3A : memref<1x640xf32, #tpu.memory_space<hbm>> -> memref<640xf32, #tpu.memory_space<hbm>>
      %dma_start3A_61 = tpu.memref_slice %arg7[%mul3A_57] : memref<10240xf32, #tpu.memory_space<vmem_shared>> -> memref<640xf32, #tpu.memory_space<vmem_shared>>
      tpu.enqueue_dma source(%dma_start3A_61 : memref<640xf32, #tpu.memory_space<vmem_shared>>) target(%dma_start3A_60 : memref<640xf32, #tpu.memory_space<hbm>>) target_semaphore(%run_scoped3A : memref<!tpu.dma_semaphore, #tpu.memory_space<semaphore_mem>>)
      %dma_wait3A = tpu.memref_slice %arg3[%arg0, %mul3A_59] : memref<2x10240xf32, #tpu.memory_space<hbm>> -> memref<1x640xf32, #tpu.memory_space<hbm>>
      %dma_wait3A_62 = tpu.memref_squeeze %dma_wait3A : memref<1x640xf32, #tpu.memory_space<hbm>> -> memref<640xf32, #tpu.memory_space<hbm>>
      %dma_wait3A_63 = tpu.memref_slice %arg7[%mul3A_57] : memref<10240xf32, #tpu.memory_space<vmem_shared>> -> memref<640xf32, #tpu.memory_space<vmem_shared>>
      tpu.wait_dma2 semaphore(%run_scoped3A : memref<!tpu.dma_semaphore, #tpu.memory_space<semaphore_mem>>) src(%dma_wait3A_63 : memref<640xf32, #tpu.memory_space<vmem_shared>>) dst(%dma_wait3A_62 : memref<640xf32, #tpu.memory_space<hbm>>)
      tpu.yield
    }) : () -> ()
    return
  }
}

#map = affine_map<(d0, d1) -> (0, 0)>
#map1 = affine_map<(d0, d1) -> (0, 0, 0)>
module attributes {stable_mosaic.version = 14 : i64} {
  func.func @_scat_body(%arg0: i32, %arg1: i32, %arg2: memref<10000x64xf32, #tpu.memory_space<hbm>>, %arg3: memref<10000x64xf32, #tpu.memory_space<hbm>>, %arg4: memref<16x160x128xi32, #tpu.memory_space<hbm>>, %arg5: memref<16x160x128xi32, #tpu.memory_space<hbm>>, %arg6: memref<2x10240x64xf32, #tpu.memory_space<hbm>>, %arg7: memref<2x128xi32, #tpu.memory_space<vmem>>, %arg8: memref<2x128xi32, #tpu.memory_space<vmem>>, %arg9: memref<2x128x64xf32, #tpu.memory_space<vmem>>, %arg10: memref<10000x64xf32, #tpu.memory_space<vmem_shared>>, %arg11: memref<10240x64xf32, #tpu.memory_space<vmem_shared>>, %arg12: memref<!tpu.dma_semaphore, #tpu.memory_space<semaphore_mem>>, %arg13: memref<!tpu.dma_semaphore, #tpu.memory_space<semaphore_mem>>, %arg14: memref<!tpu.dma_semaphore, #tpu.memory_space<semaphore_mem>>) attributes {dimension_semantics = [#tpu.dimension_semantics<core_parallel>, #tpu.dimension_semantics<subcore_parallel>], iteration_bounds = array<i64: 2, 16>, scalar_prefetch = 0 : i64, scratch_operands = 8 : i64, tpu.core_type = #tpu.core_type<sc_vector_subcore>, window_params = [{transform_indices = #map}, {transform_indices = #map}, {transform_indices = #map1}, {transform_indices = #map1}, {transform_indices = #map1}]} {
    %broadcast_in_dim3A = arith.constant 0.000000e+00 : f32
    %broadcast_in_dim3A_0 = vector.broadcast %broadcast_in_dim3A : f32 to vector<16xf32>
    %eq3A = arith.constant 0 : i32
    %eq3A_1 = arith.cmpi eq, %arg0, %eq3A : i32
    %convert_element_type3A = arith.extui %eq3A_1 : i1 to i32
    %cond3A = arith.constant 0 : i32
    %cond3A_2 = arith.cmpi ne, %convert_element_type3A, %cond3A : i32
    scf.if %cond3A_2 {
      %mul3A_129 = arith.constant 624 : i32
      %mul3A_130 = arith.muli %arg1, %mul3A_129 : i32
      %mul3A_131 = arith.constant 624 : i32
      %mul3A_132 = arith.muli %arg1, %mul3A_131 : i32
      "tpu.region"() ({
        %run_scoped3A_138 = tpu.sem_alloc : memref<!tpu.dma_semaphore, #tpu.memory_space<semaphore_mem>>
        %dma_start3A_139 = arith.constant 0 : i32
        %dma_start3A_140 = tpu.memref_slice %arg10[%mul3A_132, %dma_start3A_139] : memref<10000x64xf32, #tpu.memory_space<vmem_shared>> -> memref<624x64xf32, #tpu.memory_space<vmem_shared>>
        %dma_start3A_141 = arith.constant 0 : i32
        %dma_start3A_142 = tpu.memref_slice %arg2[%mul3A_130, %dma_start3A_141] : memref<10000x64xf32, #tpu.memory_space<hbm>> -> memref<624x64xf32, #tpu.memory_space<hbm>>
        tpu.enqueue_dma source(%dma_start3A_142 : memref<624x64xf32, #tpu.memory_space<hbm>>) target(%dma_start3A_140 : memref<624x64xf32, #tpu.memory_space<vmem_shared>>) target_semaphore(%run_scoped3A_138 : memref<!tpu.dma_semaphore, #tpu.memory_space<semaphore_mem>>)
        %dma_wait3A_143 = arith.constant 0 : i32
        %dma_wait3A_144 = tpu.memref_slice %arg10[%mul3A_132, %dma_wait3A_143] : memref<10000x64xf32, #tpu.memory_space<vmem_shared>> -> memref<624x64xf32, #tpu.memory_space<vmem_shared>>
        %dma_wait3A_145 = arith.constant 0 : i32
        %dma_wait3A_146 = tpu.memref_slice %arg2[%mul3A_130, %dma_wait3A_145] : memref<10000x64xf32, #tpu.memory_space<hbm>> -> memref<624x64xf32, #tpu.memory_space<hbm>>
        tpu.wait_dma2 semaphore(%run_scoped3A_138 : memref<!tpu.dma_semaphore, #tpu.memory_space<semaphore_mem>>) src(%dma_wait3A_146 : memref<624x64xf32, #tpu.memory_space<hbm>>) dst(%dma_wait3A_144 : memref<624x64xf32, #tpu.memory_space<vmem_shared>>)
        tpu.yield
      }) : () -> ()
      %eq3A_133 = arith.constant 0 : i32
      %eq3A_134 = arith.cmpi eq, %arg1, %eq3A_133 : i32
      %convert_element_type3A_135 = arith.extui %eq3A_134 : i1 to i32
      %cond3A_136 = arith.constant 0 : i32
      %cond3A_137 = arith.cmpi ne, %convert_element_type3A_135, %cond3A_136 : i32
      scf.if %cond3A_137 {
        "tpu.region"() ({
          %run_scoped3A_138 = tpu.sem_alloc : memref<!tpu.dma_semaphore, #tpu.memory_space<semaphore_mem>>
          %dma_start3A_139 = arith.constant 9984 : i32
          %dma_start3A_140 = arith.constant 0 : i32
          %dma_start3A_141 = tpu.memref_slice %arg10[%dma_start3A_139, %dma_start3A_140] : memref<10000x64xf32, #tpu.memory_space<vmem_shared>> -> memref<16x64xf32, #tpu.memory_space<vmem_shared>>
          %dma_start3A_142 = arith.constant 9984 : i32
          %dma_start3A_143 = arith.constant 0 : i32
          %dma_start3A_144 = tpu.memref_slice %arg2[%dma_start3A_142, %dma_start3A_143] : memref<10000x64xf32, #tpu.memory_space<hbm>> -> memref<16x64xf32, #tpu.memory_space<hbm>>
          tpu.enqueue_dma source(%dma_start3A_144 : memref<16x64xf32, #tpu.memory_space<hbm>>) target(%dma_start3A_141 : memref<16x64xf32, #tpu.memory_space<vmem_shared>>) target_semaphore(%run_scoped3A_138 : memref<!tpu.dma_semaphore, #tpu.memory_space<semaphore_mem>>)
          %dma_wait3A_145 = arith.constant 9984 : i32
          %dma_wait3A_146 = arith.constant 0 : i32
          %dma_wait3A_147 = tpu.memref_slice %arg10[%dma_wait3A_145, %dma_wait3A_146] : memref<10000x64xf32, #tpu.memory_space<vmem_shared>> -> memref<16x64xf32, #tpu.memory_space<vmem_shared>>
          %dma_wait3A_148 = arith.constant 9984 : i32
          %dma_wait3A_149 = arith.constant 0 : i32
          %dma_wait3A_150 = tpu.memref_slice %arg2[%dma_wait3A_148, %dma_wait3A_149] : memref<10000x64xf32, #tpu.memory_space<hbm>> -> memref<16x64xf32, #tpu.memory_space<hbm>>
          tpu.wait_dma2 semaphore(%run_scoped3A_138 : memref<!tpu.dma_semaphore, #tpu.memory_space<semaphore_mem>>) src(%dma_wait3A_150 : memref<16x64xf32, #tpu.memory_space<hbm>>) dst(%dma_wait3A_147 : memref<16x64xf32, #tpu.memory_space<vmem_shared>>)
          tpu.yield
        }) : () -> ()
      } else {
      }
    } else {
    }
    %eq3A_3 = arith.constant 1 : i32
    %eq3A_4 = arith.cmpi eq, %arg0, %eq3A_3 : i32
    %convert_element_type3A_5 = arith.extui %eq3A_4 : i1 to i32
    %cond3A_6 = arith.constant 0 : i32
    %cond3A_7 = arith.cmpi ne, %convert_element_type3A_5, %cond3A_6 : i32
    scf.if %cond3A_7 {
      %mul3A_129 = arith.constant 624 : i32
      %mul3A_130 = arith.muli %arg1, %mul3A_129 : i32
      %mul3A_131 = arith.constant 624 : i32
      %mul3A_132 = arith.muli %arg1, %mul3A_131 : i32
      "tpu.region"() ({
        %run_scoped3A_138 = tpu.sem_alloc : memref<!tpu.dma_semaphore, #tpu.memory_space<semaphore_mem>>
        %dma_start3A_139 = arith.constant 0 : i32
        %dma_start3A_140 = tpu.memref_slice %arg10[%mul3A_132, %dma_start3A_139] : memref<10000x64xf32, #tpu.memory_space<vmem_shared>> -> memref<624x64xf32, #tpu.memory_space<vmem_shared>>
        %dma_start3A_141 = arith.constant 0 : i32
        %dma_start3A_142 = tpu.memref_slice %arg3[%mul3A_130, %dma_start3A_141] : memref<10000x64xf32, #tpu.memory_space<hbm>> -> memref<624x64xf32, #tpu.memory_space<hbm>>
        tpu.enqueue_dma source(%dma_start3A_142 : memref<624x64xf32, #tpu.memory_space<hbm>>) target(%dma_start3A_140 : memref<624x64xf32, #tpu.memory_space<vmem_shared>>) target_semaphore(%run_scoped3A_138 : memref<!tpu.dma_semaphore, #tpu.memory_space<semaphore_mem>>)
        %dma_wait3A_143 = arith.constant 0 : i32
        %dma_wait3A_144 = tpu.memref_slice %arg10[%mul3A_132, %dma_wait3A_143] : memref<10000x64xf32, #tpu.memory_space<vmem_shared>> -> memref<624x64xf32, #tpu.memory_space<vmem_shared>>
        %dma_wait3A_145 = arith.constant 0 : i32
        %dma_wait3A_146 = tpu.memref_slice %arg3[%mul3A_130, %dma_wait3A_145] : memref<10000x64xf32, #tpu.memory_space<hbm>> -> memref<624x64xf32, #tpu.memory_space<hbm>>
        tpu.wait_dma2 semaphore(%run_scoped3A_138 : memref<!tpu.dma_semaphore, #tpu.memory_space<semaphore_mem>>) src(%dma_wait3A_146 : memref<624x64xf32, #tpu.memory_space<hbm>>) dst(%dma_wait3A_144 : memref<624x64xf32, #tpu.memory_space<vmem_shared>>)
        tpu.yield
      }) : () -> ()
      %eq3A_133 = arith.constant 0 : i32
      %eq3A_134 = arith.cmpi eq, %arg1, %eq3A_133 : i32
      %convert_element_type3A_135 = arith.extui %eq3A_134 : i1 to i32
      %cond3A_136 = arith.constant 0 : i32
      %cond3A_137 = arith.cmpi ne, %convert_element_type3A_135, %cond3A_136 : i32
      scf.if %cond3A_137 {
        "tpu.region"() ({
          %run_scoped3A_138 = tpu.sem_alloc : memref<!tpu.dma_semaphore, #tpu.memory_space<semaphore_mem>>
          %dma_start3A_139 = arith.constant 9984 : i32
          %dma_start3A_140 = arith.constant 0 : i32
          %dma_start3A_141 = tpu.memref_slice %arg10[%dma_start3A_139, %dma_start3A_140] : memref<10000x64xf32, #tpu.memory_space<vmem_shared>> -> memref<16x64xf32, #tpu.memory_space<vmem_shared>>
          %dma_start3A_142 = arith.constant 9984 : i32
          %dma_start3A_143 = arith.constant 0 : i32
          %dma_start3A_144 = tpu.memref_slice %arg3[%dma_start3A_142, %dma_start3A_143] : memref<10000x64xf32, #tpu.memory_space<hbm>> -> memref<16x64xf32, #tpu.memory_space<hbm>>
          tpu.enqueue_dma source(%dma_start3A_144 : memref<16x64xf32, #tpu.memory_space<hbm>>) target(%dma_start3A_141 : memref<16x64xf32, #tpu.memory_space<vmem_shared>>) target_semaphore(%run_scoped3A_138 : memref<!tpu.dma_semaphore, #tpu.memory_space<semaphore_mem>>)
          %dma_wait3A_145 = arith.constant 9984 : i32
          %dma_wait3A_146 = arith.constant 0 : i32
          %dma_wait3A_147 = tpu.memref_slice %arg10[%dma_wait3A_145, %dma_wait3A_146] : memref<10000x64xf32, #tpu.memory_space<vmem_shared>> -> memref<16x64xf32, #tpu.memory_space<vmem_shared>>
          %dma_wait3A_148 = arith.constant 9984 : i32
          %dma_wait3A_149 = arith.constant 0 : i32
          %dma_wait3A_150 = tpu.memref_slice %arg3[%dma_wait3A_148, %dma_wait3A_149] : memref<10000x64xf32, #tpu.memory_space<hbm>> -> memref<16x64xf32, #tpu.memory_space<hbm>>
          tpu.wait_dma2 semaphore(%run_scoped3A_138 : memref<!tpu.dma_semaphore, #tpu.memory_space<semaphore_mem>>) src(%dma_wait3A_150 : memref<16x64xf32, #tpu.memory_space<hbm>>) dst(%dma_wait3A_147 : memref<16x64xf32, #tpu.memory_space<vmem_shared>>)
          tpu.yield
        }) : () -> ()
      } else {
      }
    } else {
    }
    %scan3A = arith.constant 0 : i32
    %scan3A_8 = arith.constant 0 : i32
    %scan3A_9 = arith.constant 128 : i32
    %scan3A_10 = arith.addi %scan3A_8, %scan3A_9 : i32
    %scan3A_11 = arith.constant 1 : i32
    %scan3A_12 = scf.for %scan3A_129 = %scan3A_8 to %scan3A_10 step %scan3A_11 iter_args(%scan3A_130 = %scan3A) -> (i32)  : i32 {
      %swap3A = arith.constant 0 : i32
      %swap3A_131 = arith.index_cast %swap3A : i32 to index
      %swap3A_132 = arith.index_cast %scan3A_129 : i32 to index
      %swap3A_133 = arith.constant 0 : index
      %swap3A_134 = tpu.vector_load %arg9[%swap3A_131, %swap3A_132, %swap3A_133] {strides = array<i32>} : memref<2x128x64xf32, #tpu.memory_space<vmem>>, vector<1x1x16xf32>,
      %swap3A_135 = vector.shape_cast %swap3A_134 : vector<1x1x16xf32> to vector<16xf32>
      %swap3A_136 = vector.shape_cast %broadcast_in_dim3A_0 : vector<16xf32> to vector<1x1x16xf32>
      tpu.vector_store %arg9[%swap3A_131, %swap3A_132, %swap3A_133], %swap3A_136 {strides = array<i32>} : memref<2x128x64xf32, #tpu.memory_space<vmem>>, vector<1x1x16xf32>,
      %swap3A_137 = arith.constant 0 : i32
      %swap3A_138 = arith.index_cast %swap3A_137 : i32 to index
      %swap3A_139 = arith.index_cast %scan3A_129 : i32 to index
      %swap3A_140 = arith.constant 16 : index
      %swap3A_141 = tpu.vector_load %arg9[%swap3A_138, %swap3A_139, %swap3A_140] {strides = array<i32>} : memref<2x128x64xf32, #tpu.memory_space<vmem>>, vector<1x1x16xf32>,
      %swap3A_142 = vector.shape_cast %swap3A_141 : vector<1x1x16xf32> to vector<16xf32>
      %swap3A_143 = vector.shape_cast %broadcast_in_dim3A_0 : vector<16xf32> to vector<1x1x16xf32>
      tpu.vector_store %arg9[%swap3A_138, %swap3A_139, %swap3A_140], %swap3A_143 {strides = array<i32>} : memref<2x128x64xf32, #tpu.memory_space<vmem>>, vector<1x1x16xf32>,
      %swap3A_144 = arith.constant 0 : i32
      %swap3A_145 = arith.index_cast %swap3A_144 : i32 to index
      %swap3A_146 = arith.index_cast %scan3A_129 : i32 to index
      %swap3A_147 = arith.constant 32 : index
      %swap3A_148 = tpu.vector_load %arg9[%swap3A_145, %swap3A_146, %swap3A_147] {strides = array<i32>} : memref<2x128x64xf32, #tpu.memory_space<vmem>>, vector<1x1x16xf32>,
      %swap3A_149 = vector.shape_cast %swap3A_148 : vector<1x1x16xf32> to vector<16xf32>
      %swap3A_150 = vector.shape_cast %broadcast_in_dim3A_0 : vector<16xf32> to vector<1x1x16xf32>
      tpu.vector_store %arg9[%swap3A_145, %swap3A_146, %swap3A_147], %swap3A_150 {strides = array<i32>} : memref<2x128x64xf32, #tpu.memory_space<vmem>>, vector<1x1x16xf32>,
      %swap3A_151 = arith.constant 0 : i32
      %swap3A_152 = arith.index_cast %swap3A_151 : i32 to index
      %swap3A_153 = arith.index_cast %scan3A_129 : i32 to index
      %swap3A_154 = arith.constant 48 : index
      %swap3A_155 = tpu.vector_load %arg9[%swap3A_152, %swap3A_153, %swap3A_154] {strides = array<i32>} : memref<2x128x64xf32, #tpu.memory_space<vmem>>, vector<1x1x16xf32>,
      %swap3A_156 = vector.shape_cast %swap3A_155 : vector<1x1x16xf32> to vector<16xf32>
      %swap3A_157 = vector.shape_cast %broadcast_in_dim3A_0 : vector<16xf32> to vector<1x1x16xf32>
      tpu.vector_store %arg9[%swap3A_152, %swap3A_153, %swap3A_154], %swap3A_157 {strides = array<i32>} : memref<2x128x64xf32, #tpu.memory_space<vmem>>, vector<1x1x16xf32>,
      %scan3A_158 = arith.constant 0 : i32
      scf.yield %scan3A_158 : i32
    }
    %scan3A_13 = arith.constant 128 : i32
    %mul3A = arith.constant 640 : i32
    %mul3A_14 = arith.muli %arg1, %mul3A : i32
    %add3A = arith.constant 0 : i32
    %add3A_15 = arith.addi %mul3A_14, %add3A : i32
    %run_scoped3A = arith.constant 0 : i32
    "tpu.region"() ({
      %run_scoped3A_129 = tpu.sem_alloc : memref<!tpu.dma_semaphore, #tpu.memory_space<semaphore_mem>>
      %dma_start3A_130 = arith.constant 0 : i32
      %dma_start3A_131 = arith.constant 0 : i32
      %dma_start3A_132 = tpu.memref_slice %arg9[%run_scoped3A, %dma_start3A_130, %dma_start3A_131] : memref<2x128x64xf32, #tpu.memory_space<vmem>> -> memref<1x128x64xf32, #tpu.memory_space<vmem>>
      %dma_start3A_133 = tpu.memref_squeeze %dma_start3A_132 : memref<1x128x64xf32, #tpu.memory_space<vmem>> -> memref<128x64xf32, #tpu.memory_space<vmem>>
      %dma_start3A_134 = arith.constant 0 : i32
      %dma_start3A_135 = tpu.memref_slice %arg11[%add3A_15, %dma_start3A_134] : memref<10240x64xf32, #tpu.memory_space<vmem_shared>> -> memref<128x64xf32, #tpu.memory_space<vmem_shared>>
      %dma_start3A_136 = arith.constant 0 : i32
      %dma_start3A_137 = tpu.memref_slice %arg11[%add3A_15, %dma_start3A_136] : memref<10240x64xf32, #tpu.memory_space<vmem_shared>> -> memref<128x64xf32, #tpu.memory_space<vmem_shared>>
      %dma_start3A_138 = arith.constant 0 : i32
      %dma_start3A_139 = arith.constant 0 : i32
      %dma_start3A_140 = tpu.memref_slice %arg9[%run_scoped3A, %dma_start3A_138, %dma_start3A_139] : memref<2x128x64xf32, #tpu.memory_space<vmem>> -> memref<1x128x64xf32, #tpu.memory_space<vmem>>
      %dma_start3A_141 = tpu.memref_squeeze %dma_start3A_140 : memref<1x128x64xf32, #tpu.memory_space<vmem>> -> memref<128x64xf32, #tpu.memory_space<vmem>>
      tpu.enqueue_dma source(%dma_start3A_141 : memref<128x64xf32, #tpu.memory_space<vmem>>) target(%dma_start3A_137 : memref<128x64xf32, #tpu.memory_space<vmem_shared>>) target_semaphore(%run_scoped3A_129 : memref<!tpu.dma_semaphore, #tpu.memory_space<semaphore_mem>>)
      %dma_wait3A_142 = arith.constant 0 : i32
      %dma_wait3A_143 = arith.constant 0 : i32
      %dma_wait3A_144 = tpu.memref_slice %arg9[%run_scoped3A, %dma_wait3A_142, %dma_wait3A_143] : memref<2x128x64xf32, #tpu.memory_space<vmem>> -> memref<1x128x64xf32, #tpu.memory_space<vmem>>
      %dma_wait3A_145 = tpu.memref_squeeze %dma_wait3A_144 : memref<1x128x64xf32, #tpu.memory_space<vmem>> -> memref<128x64xf32, #tpu.memory_space<vmem>>
      %dma_wait3A_146 = arith.constant 0 : i32
      %dma_wait3A_147 = tpu.memref_slice %arg11[%add3A_15, %dma_wait3A_146] : memref<10240x64xf32, #tpu.memory_space<vmem_shared>> -> memref<128x64xf32, #tpu.memory_space<vmem_shared>>
      %dma_wait3A_148 = arith.constant 0 : i32
      %dma_wait3A_149 = tpu.memref_slice %arg11[%add3A_15, %dma_wait3A_148] : memref<10240x64xf32, #tpu.memory_space<vmem_shared>> -> memref<128x64xf32, #tpu.memory_space<vmem_shared>>
      %dma_wait3A_150 = arith.constant 0 : i32
      %dma_wait3A_151 = arith.constant 0 : i32
      %dma_wait3A_152 = tpu.memref_slice %arg9[%run_scoped3A, %dma_wait3A_150, %dma_wait3A_151] : memref<2x128x64xf32, #tpu.memory_space<vmem>> -> memref<1x128x64xf32, #tpu.memory_space<vmem>>
      %dma_wait3A_153 = tpu.memref_squeeze %dma_wait3A_152 : memref<1x128x64xf32, #tpu.memory_space<vmem>> -> memref<128x64xf32, #tpu.memory_space<vmem>>
      tpu.wait_dma2 semaphore(%run_scoped3A_129 : memref<!tpu.dma_semaphore, #tpu.memory_space<semaphore_mem>>) src(%dma_wait3A_153 : memref<128x64xf32, #tpu.memory_space<vmem>>) dst(%dma_wait3A_149 : memref<128x64xf32, #tpu.memory_space<vmem_shared>>)
      tpu.yield
    }) : () -> ()
    %mul3A_16 = arith.constant 640 : i32
    %mul3A_17 = arith.muli %arg1, %mul3A_16 : i32
    %add3A_18 = arith.constant 128 : i32
    %add3A_19 = arith.addi %mul3A_17, %add3A_18 : i32
    %run_scoped3A_20 = arith.constant 0 : i32
    "tpu.region"() ({
      %run_scoped3A_129 = tpu.sem_alloc : memref<!tpu.dma_semaphore, #tpu.memory_space<semaphore_mem>>
      %dma_start3A_130 = arith.constant 0 : i32
      %dma_start3A_131 = arith.constant 0 : i32
      %dma_start3A_132 = tpu.memref_slice %arg9[%run_scoped3A_20, %dma_start3A_130, %dma_start3A_131] : memref<2x128x64xf32, #tpu.memory_space<vmem>> -> memref<1x128x64xf32, #tpu.memory_space<vmem>>
      %dma_start3A_133 = tpu.memref_squeeze %dma_start3A_132 : memref<1x128x64xf32, #tpu.memory_space<vmem>> -> memref<128x64xf32, #tpu.memory_space<vmem>>
      %dma_start3A_134 = arith.constant 0 : i32
      %dma_start3A_135 = tpu.memref_slice %arg11[%add3A_19, %dma_start3A_134] : memref<10240x64xf32, #tpu.memory_space<vmem_shared>> -> memref<128x64xf32, #tpu.memory_space<vmem_shared>>
      %dma_start3A_136 = arith.constant 0 : i32
      %dma_start3A_137 = tpu.memref_slice %arg11[%add3A_19, %dma_start3A_136] : memref<10240x64xf32, #tpu.memory_space<vmem_shared>> -> memref<128x64xf32, #tpu.memory_space<vmem_shared>>
      %dma_start3A_138 = arith.constant 0 : i32
      %dma_start3A_139 = arith.constant 0 : i32
      %dma_start3A_140 = tpu.memref_slice %arg9[%run_scoped3A_20, %dma_start3A_138, %dma_start3A_139] : memref<2x128x64xf32, #tpu.memory_space<vmem>> -> memref<1x128x64xf32, #tpu.memory_space<vmem>>
      %dma_start3A_141 = tpu.memref_squeeze %dma_start3A_140 : memref<1x128x64xf32, #tpu.memory_space<vmem>> -> memref<128x64xf32, #tpu.memory_space<vmem>>
      tpu.enqueue_dma source(%dma_start3A_141 : memref<128x64xf32, #tpu.memory_space<vmem>>) target(%dma_start3A_137 : memref<128x64xf32, #tpu.memory_space<vmem_shared>>) target_semaphore(%run_scoped3A_129 : memref<!tpu.dma_semaphore, #tpu.memory_space<semaphore_mem>>)
      %dma_wait3A_142 = arith.constant 0 : i32
      %dma_wait3A_143 = arith.constant 0 : i32
      %dma_wait3A_144 = tpu.memref_slice %arg9[%run_scoped3A_20, %dma_wait3A_142, %dma_wait3A_143] : memref<2x128x64xf32, #tpu.memory_space<vmem>> -> memref<1x128x64xf32, #tpu.memory_space<vmem>>
      %dma_wait3A_145 = tpu.memref_squeeze %dma_wait3A_144 : memref<1x128x64xf32, #tpu.memory_space<vmem>> -> memref<128x64xf32, #tpu.memory_space<vmem>>
      %dma_wait3A_146 = arith.constant 0 : i32
      %dma_wait3A_147 = tpu.memref_slice %arg11[%add3A_19, %dma_wait3A_146] : memref<10240x64xf32, #tpu.memory_space<vmem_shared>> -> memref<128x64xf32, #tpu.memory_space<vmem_shared>>
      %dma_wait3A_148 = arith.constant 0 : i32
      %dma_wait3A_149 = tpu.memref_slice %arg11[%add3A_19, %dma_wait3A_148] : memref<10240x64xf32, #tpu.memory_space<vmem_shared>> -> memref<128x64xf32, #tpu.memory_space<vmem_shared>>
      %dma_wait3A_150 = arith.constant 0 : i32
      %dma_wait3A_151 = arith.constant 0 : i32
      %dma_wait3A_152 = tpu.memref_slice %arg9[%run_scoped3A_20, %dma_wait3A_150, %dma_wait3A_151] : memref<2x128x64xf32, #tpu.memory_space<vmem>> -> memref<1x128x64xf32, #tpu.memory_space<vmem>>
      %dma_wait3A_153 = tpu.memref_squeeze %dma_wait3A_152 : memref<1x128x64xf32, #tpu.memory_space<vmem>> -> memref<128x64xf32, #tpu.memory_space<vmem>>
      tpu.wait_dma2 semaphore(%run_scoped3A_129 : memref<!tpu.dma_semaphore, #tpu.memory_space<semaphore_mem>>) src(%dma_wait3A_153 : memref<128x64xf32, #tpu.memory_space<vmem>>) dst(%dma_wait3A_149 : memref<128x64xf32, #tpu.memory_space<vmem_shared>>)
      tpu.yield
    }) : () -> ()
    %mul3A_21 = arith.constant 640 : i32
    %mul3A_22 = arith.muli %arg1, %mul3A_21 : i32
    %add3A_23 = arith.constant 256 : i32
    %add3A_24 = arith.addi %mul3A_22, %add3A_23 : i32
    %run_scoped3A_25 = arith.constant 0 : i32
    "tpu.region"() ({
      %run_scoped3A_129 = tpu.sem_alloc : memref<!tpu.dma_semaphore, #tpu.memory_space<semaphore_mem>>
      %dma_start3A_130 = arith.constant 0 : i32
      %dma_start3A_131 = arith.constant 0 : i32
      %dma_start3A_132 = tpu.memref_slice %arg9[%run_scoped3A_25, %dma_start3A_130, %dma_start3A_131] : memref<2x128x64xf32, #tpu.memory_space<vmem>> -> memref<1x128x64xf32, #tpu.memory_space<vmem>>
      %dma_start3A_133 = tpu.memref_squeeze %dma_start3A_132 : memref<1x128x64xf32, #tpu.memory_space<vmem>> -> memref<128x64xf32, #tpu.memory_space<vmem>>
      %dma_start3A_134 = arith.constant 0 : i32
      %dma_start3A_135 = tpu.memref_slice %arg11[%add3A_24, %dma_start3A_134] : memref<10240x64xf32, #tpu.memory_space<vmem_shared>> -> memref<128x64xf32, #tpu.memory_space<vmem_shared>>
      %dma_start3A_136 = arith.constant 0 : i32
      %dma_start3A_137 = tpu.memref_slice %arg11[%add3A_24, %dma_start3A_136] : memref<10240x64xf32, #tpu.memory_space<vmem_shared>> -> memref<128x64xf32, #tpu.memory_space<vmem_shared>>
      %dma_start3A_138 = arith.constant 0 : i32
      %dma_start3A_139 = arith.constant 0 : i32
      %dma_start3A_140 = tpu.memref_slice %arg9[%run_scoped3A_25, %dma_start3A_138, %dma_start3A_139] : memref<2x128x64xf32, #tpu.memory_space<vmem>> -> memref<1x128x64xf32, #tpu.memory_space<vmem>>
      %dma_start3A_141 = tpu.memref_squeeze %dma_start3A_140 : memref<1x128x64xf32, #tpu.memory_space<vmem>> -> memref<128x64xf32, #tpu.memory_space<vmem>>
      tpu.enqueue_dma source(%dma_start3A_141 : memref<128x64xf32, #tpu.memory_space<vmem>>) target(%dma_start3A_137 : memref<128x64xf32, #tpu.memory_space<vmem_shared>>) target_semaphore(%run_scoped3A_129 : memref<!tpu.dma_semaphore, #tpu.memory_space<semaphore_mem>>)
      %dma_wait3A_142 = arith.constant 0 : i32
      %dma_wait3A_143 = arith.constant 0 : i32
      %dma_wait3A_144 = tpu.memref_slice %arg9[%run_scoped3A_25, %dma_wait3A_142, %dma_wait3A_143] : memref<2x128x64xf32, #tpu.memory_space<vmem>> -> memref<1x128x64xf32, #tpu.memory_space<vmem>>
      %dma_wait3A_145 = tpu.memref_squeeze %dma_wait3A_144 : memref<1x128x64xf32, #tpu.memory_space<vmem>> -> memref<128x64xf32, #tpu.memory_space<vmem>>
      %dma_wait3A_146 = arith.constant 0 : i32
      %dma_wait3A_147 = tpu.memref_slice %arg11[%add3A_24, %dma_wait3A_146] : memref<10240x64xf32, #tpu.memory_space<vmem_shared>> -> memref<128x64xf32, #tpu.memory_space<vmem_shared>>
      %dma_wait3A_148 = arith.constant 0 : i32
      %dma_wait3A_149 = tpu.memref_slice %arg11[%add3A_24, %dma_wait3A_148] : memref<10240x64xf32, #tpu.memory_space<vmem_shared>> -> memref<128x64xf32, #tpu.memory_space<vmem_shared>>
      %dma_wait3A_150 = arith.constant 0 : i32
      %dma_wait3A_151 = arith.constant 0 : i32
      %dma_wait3A_152 = tpu.memref_slice %arg9[%run_scoped3A_25, %dma_wait3A_150, %dma_wait3A_151] : memref<2x128x64xf32, #tpu.memory_space<vmem>> -> memref<1x128x64xf32, #tpu.memory_space<vmem>>
      %dma_wait3A_153 = tpu.memref_squeeze %dma_wait3A_152 : memref<1x128x64xf32, #tpu.memory_space<vmem>> -> memref<128x64xf32, #tpu.memory_space<vmem>>
      tpu.wait_dma2 semaphore(%run_scoped3A_129 : memref<!tpu.dma_semaphore, #tpu.memory_space<semaphore_mem>>) src(%dma_wait3A_153 : memref<128x64xf32, #tpu.memory_space<vmem>>) dst(%dma_wait3A_149 : memref<128x64xf32, #tpu.memory_space<vmem_shared>>)
      tpu.yield
    }) : () -> ()
    %mul3A_26 = arith.constant 640 : i32
    %mul3A_27 = arith.muli %arg1, %mul3A_26 : i32
    %add3A_28 = arith.constant 384 : i32
    %add3A_29 = arith.addi %mul3A_27, %add3A_28 : i32
    %run_scoped3A_30 = arith.constant 0 : i32
    "tpu.region"() ({
      %run_scoped3A_129 = tpu.sem_alloc : memref<!tpu.dma_semaphore, #tpu.memory_space<semaphore_mem>>
      %dma_start3A_130 = arith.constant 0 : i32
      %dma_start3A_131 = arith.constant 0 : i32
      %dma_start3A_132 = tpu.memref_slice %arg9[%run_scoped3A_30, %dma_start3A_130, %dma_start3A_131] : memref<2x128x64xf32, #tpu.memory_space<vmem>> -> memref<1x128x64xf32, #tpu.memory_space<vmem>>
      %dma_start3A_133 = tpu.memref_squeeze %dma_start3A_132 : memref<1x128x64xf32, #tpu.memory_space<vmem>> -> memref<128x64xf32, #tpu.memory_space<vmem>>
      %dma_start3A_134 = arith.constant 0 : i32
      %dma_start3A_135 = tpu.memref_slice %arg11[%add3A_29, %dma_start3A_134] : memref<10240x64xf32, #tpu.memory_space<vmem_shared>> -> memref<128x64xf32, #tpu.memory_space<vmem_shared>>
      %dma_start3A_136 = arith.constant 0 : i32
      %dma_start3A_137 = tpu.memref_slice %arg11[%add3A_29, %dma_start3A_136] : memref<10240x64xf32, #tpu.memory_space<vmem_shared>> -> memref<128x64xf32, #tpu.memory_space<vmem_shared>>
      %dma_start3A_138 = arith.constant 0 : i32
      %dma_start3A_139 = arith.constant 0 : i32
      %dma_start3A_140 = tpu.memref_slice %arg9[%run_scoped3A_30, %dma_start3A_138, %dma_start3A_139] : memref<2x128x64xf32, #tpu.memory_space<vmem>> -> memref<1x128x64xf32, #tpu.memory_space<vmem>>
      %dma_start3A_141 = tpu.memref_squeeze %dma_start3A_140 : memref<1x128x64xf32, #tpu.memory_space<vmem>> -> memref<128x64xf32, #tpu.memory_space<vmem>>
      tpu.enqueue_dma source(%dma_start3A_141 : memref<128x64xf32, #tpu.memory_space<vmem>>) target(%dma_start3A_137 : memref<128x64xf32, #tpu.memory_space<vmem_shared>>) target_semaphore(%run_scoped3A_129 : memref<!tpu.dma_semaphore, #tpu.memory_space<semaphore_mem>>)
      %dma_wait3A_142 = arith.constant 0 : i32
      %dma_wait3A_143 = arith.constant 0 : i32
      %dma_wait3A_144 = tpu.memref_slice %arg9[%run_scoped3A_30, %dma_wait3A_142, %dma_wait3A_143] : memref<2x128x64xf32, #tpu.memory_space<vmem>> -> memref<1x128x64xf32, #tpu.memory_space<vmem>>
      %dma_wait3A_145 = tpu.memref_squeeze %dma_wait3A_144 : memref<1x128x64xf32, #tpu.memory_space<vmem>> -> memref<128x64xf32, #tpu.memory_space<vmem>>
      %dma_wait3A_146 = arith.constant 0 : i32
      %dma_wait3A_147 = tpu.memref_slice %arg11[%add3A_29, %dma_wait3A_146] : memref<10240x64xf32, #tpu.memory_space<vmem_shared>> -> memref<128x64xf32, #tpu.memory_space<vmem_shared>>
      %dma_wait3A_148 = arith.constant 0 : i32
      %dma_wait3A_149 = tpu.memref_slice %arg11[%add3A_29, %dma_wait3A_148] : memref<10240x64xf32, #tpu.memory_space<vmem_shared>> -> memref<128x64xf32, #tpu.memory_space<vmem_shared>>
      %dma_wait3A_150 = arith.constant 0 : i32
      %dma_wait3A_151 = arith.constant 0 : i32
      %dma_wait3A_152 = tpu.memref_slice %arg9[%run_scoped3A_30, %dma_wait3A_150, %dma_wait3A_151] : memref<2x128x64xf32, #tpu.memory_space<vmem>> -> memref<1x128x64xf32, #tpu.memory_space<vmem>>
      %dma_wait3A_153 = tpu.memref_squeeze %dma_wait3A_152 : memref<1x128x64xf32, #tpu.memory_space<vmem>> -> memref<128x64xf32, #tpu.memory_space<vmem>>
      tpu.wait_dma2 semaphore(%run_scoped3A_129 : memref<!tpu.dma_semaphore, #tpu.memory_space<semaphore_mem>>) src(%dma_wait3A_153 : memref<128x64xf32, #tpu.memory_space<vmem>>) dst(%dma_wait3A_149 : memref<128x64xf32, #tpu.memory_space<vmem_shared>>)
      tpu.yield
    }) : () -> ()
    %mul3A_31 = arith.constant 640 : i32
    %mul3A_32 = arith.muli %arg1, %mul3A_31 : i32
    %add3A_33 = arith.constant 512 : i32
    %add3A_34 = arith.addi %mul3A_32, %add3A_33 : i32
    %run_scoped3A_35 = arith.constant 0 : i32
    "tpu.region"() ({
      %run_scoped3A_129 = tpu.sem_alloc : memref<!tpu.dma_semaphore, #tpu.memory_space<semaphore_mem>>
      %dma_start3A_130 = arith.constant 0 : i32
      %dma_start3A_131 = arith.constant 0 : i32
      %dma_start3A_132 = tpu.memref_slice %arg9[%run_scoped3A_35, %dma_start3A_130, %dma_start3A_131] : memref<2x128x64xf32, #tpu.memory_space<vmem>> -> memref<1x128x64xf32, #tpu.memory_space<vmem>>
      %dma_start3A_133 = tpu.memref_squeeze %dma_start3A_132 : memref<1x128x64xf32, #tpu.memory_space<vmem>> -> memref<128x64xf32, #tpu.memory_space<vmem>>
      %dma_start3A_134 = arith.constant 0 : i32
      %dma_start3A_135 = tpu.memref_slice %arg11[%add3A_34, %dma_start3A_134] : memref<10240x64xf32, #tpu.memory_space<vmem_shared>> -> memref<128x64xf32, #tpu.memory_space<vmem_shared>>
      %dma_start3A_136 = arith.constant 0 : i32
      %dma_start3A_137 = tpu.memref_slice %arg11[%add3A_34, %dma_start3A_136] : memref<10240x64xf32, #tpu.memory_space<vmem_shared>> -> memref<128x64xf32, #tpu.memory_space<vmem_shared>>
      %dma_start3A_138 = arith.constant 0 : i32
      %dma_start3A_139 = arith.constant 0 : i32
      %dma_start3A_140 = tpu.memref_slice %arg9[%run_scoped3A_35, %dma_start3A_138, %dma_start3A_139] : memref<2x128x64xf32, #tpu.memory_space<vmem>> -> memref<1x128x64xf32, #tpu.memory_space<vmem>>
      %dma_start3A_141 = tpu.memref_squeeze %dma_start3A_140 : memref<1x128x64xf32, #tpu.memory_space<vmem>> -> memref<128x64xf32, #tpu.memory_space<vmem>>
      tpu.enqueue_dma source(%dma_start3A_141 : memref<128x64xf32, #tpu.memory_space<vmem>>) target(%dma_start3A_137 : memref<128x64xf32, #tpu.memory_space<vmem_shared>>) target_semaphore(%run_scoped3A_129 : memref<!tpu.dma_semaphore, #tpu.memory_space<semaphore_mem>>)
      %dma_wait3A_142 = arith.constant 0 : i32
      %dma_wait3A_143 = arith.constant 0 : i32
      %dma_wait3A_144 = tpu.memref_slice %arg9[%run_scoped3A_35, %dma_wait3A_142, %dma_wait3A_143] : memref<2x128x64xf32, #tpu.memory_space<vmem>> -> memref<1x128x64xf32, #tpu.memory_space<vmem>>
      %dma_wait3A_145 = tpu.memref_squeeze %dma_wait3A_144 : memref<1x128x64xf32, #tpu.memory_space<vmem>> -> memref<128x64xf32, #tpu.memory_space<vmem>>
      %dma_wait3A_146 = arith.constant 0 : i32
      %dma_wait3A_147 = tpu.memref_slice %arg11[%add3A_34, %dma_wait3A_146] : memref<10240x64xf32, #tpu.memory_space<vmem_shared>> -> memref<128x64xf32, #tpu.memory_space<vmem_shared>>
      %dma_wait3A_148 = arith.constant 0 : i32
      %dma_wait3A_149 = tpu.memref_slice %arg11[%add3A_34, %dma_wait3A_148] : memref<10240x64xf32, #tpu.memory_space<vmem_shared>> -> memref<128x64xf32, #tpu.memory_space<vmem_shared>>
      %dma_wait3A_150 = arith.constant 0 : i32
      %dma_wait3A_151 = arith.constant 0 : i32
      %dma_wait3A_152 = tpu.memref_slice %arg9[%run_scoped3A_35, %dma_wait3A_150, %dma_wait3A_151] : memref<2x128x64xf32, #tpu.memory_space<vmem>> -> memref<1x128x64xf32, #tpu.memory_space<vmem>>
      %dma_wait3A_153 = tpu.memref_squeeze %dma_wait3A_152 : memref<1x128x64xf32, #tpu.memory_space<vmem>> -> memref<128x64xf32, #tpu.memory_space<vmem>>
      tpu.wait_dma2 semaphore(%run_scoped3A_129 : memref<!tpu.dma_semaphore, #tpu.memory_space<semaphore_mem>>) src(%dma_wait3A_153 : memref<128x64xf32, #tpu.memory_space<vmem>>) dst(%dma_wait3A_149 : memref<128x64xf32, #tpu.memory_space<vmem_shared>>)
      tpu.yield
    }) : () -> ()
    %dma_start3A = arith.constant 0 : i32
    %dma_start3A_36 = arith.constant 0 : i32
    %dma_start3A_37 = arith.constant 0 : i32
    %dma_start3A_38 = tpu.memref_slice %arg7[%dma_start3A_36, %dma_start3A_37] : memref<2x128xi32, #tpu.memory_space<vmem>> -> memref<1x128xi32, #tpu.memory_space<vmem>>
    %dma_start3A_39 = tpu.memref_squeeze %dma_start3A_38 : memref<1x128xi32, #tpu.memory_space<vmem>> -> memref<128xi32, #tpu.memory_space<vmem>>
    %dma_start3A_40 = arith.constant 0 : i32
    %dma_start3A_41 = tpu.memref_slice %arg4[%arg1, %dma_start3A, %dma_start3A_40] : memref<16x160x128xi32, #tpu.memory_space<hbm>> -> memref<1x1x128xi32, #tpu.memory_space<hbm>>
    %dma_start3A_42 = tpu.memref_squeeze %dma_start3A_41 : memref<1x1x128xi32, #tpu.memory_space<hbm>> -> memref<128xi32, #tpu.memory_space<hbm>>
    %dma_start3A_43 = arith.constant 0 : i32
    %dma_start3A_44 = tpu.memref_slice %arg7[%dma_start3A_36, %dma_start3A_43] : memref<2x128xi32, #tpu.memory_space<vmem>> -> memref<1x128xi32, #tpu.memory_space<vmem>>
    %dma_start3A_45 = tpu.memref_squeeze %dma_start3A_44 : memref<1x128xi32, #tpu.memory_space<vmem>> -> memref<128xi32, #tpu.memory_space<vmem>>
    %dma_start3A_46 = arith.constant 0 : i32
    %dma_start3A_47 = tpu.memref_slice %arg4[%arg1, %dma_start3A, %dma_start3A_46] : memref<16x160x128xi32, #tpu.memory_space<hbm>> -> memref<1x1x128xi32, #tpu.memory_space<hbm>>
    %dma_start3A_48 = tpu.memref_squeeze %dma_start3A_47 : memref<1x1x128xi32, #tpu.memory_space<hbm>> -> memref<128xi32, #tpu.memory_space<hbm>>
    tpu.enqueue_dma source(%dma_start3A_48 : memref<128xi32, #tpu.memory_space<hbm>>) target(%dma_start3A_45 : memref<128xi32, #tpu.memory_space<vmem>>) target_semaphore(%arg12 : memref<!tpu.dma_semaphore, #tpu.memory_space<semaphore_mem>>)
    %dma_start3A_49 = arith.constant 1 : i32
    %dma_start3A_50 = arith.constant 1 : i32
    %dma_start3A_51 = arith.constant 0 : i32
    %dma_start3A_52 = tpu.memref_slice %arg7[%dma_start3A_50, %dma_start3A_51] : memref<2x128xi32, #tpu.memory_space<vmem>> -> memref<1x128xi32, #tpu.memory_space<vmem>>
    %dma_start3A_53 = tpu.memref_squeeze %dma_start3A_52 : memref<1x128xi32, #tpu.memory_space<vmem>> -> memref<128xi32, #tpu.memory_space<vmem>>
    %dma_start3A_54 = arith.constant 0 : i32
    %dma_start3A_55 = tpu.memref_slice %arg4[%arg1, %dma_start3A_49, %dma_start3A_54] : memref<16x160x128xi32, #tpu.memory_space<hbm>> -> memref<1x1x128xi32, #tpu.memory_space<hbm>>
    %dma_start3A_56 = tpu.memref_squeeze %dma_start3A_55 : memref<1x1x128xi32, #tpu.memory_space<hbm>> -> memref<128xi32, #tpu.memory_space<hbm>>
    %dma_start3A_57 = arith.constant 0 : i32
    %dma_start3A_58 = tpu.memref_slice %arg7[%dma_start3A_50, %dma_start3A_57] : memref<2x128xi32, #tpu.memory_space<vmem>> -> memref<1x128xi32, #tpu.memory_space<vmem>>
    %dma_start3A_59 = tpu.memref_squeeze %dma_start3A_58 : memref<1x128xi32, #tpu.memory_space<vmem>> -> memref<128xi32, #tpu.memory_space<vmem>>
    %dma_start3A_60 = arith.constant 0 : i32
    %dma_start3A_61 = tpu.memref_slice %arg4[%arg1, %dma_start3A_49, %dma_start3A_60] : memref<16x160x128xi32, #tpu.memory_space<hbm>> -> memref<1x1x128xi32, #tpu.memory_space<hbm>>
    %dma_start3A_62 = tpu.memref_squeeze %dma_start3A_61 : memref<1x1x128xi32, #tpu.memory_space<hbm>> -> memref<128xi32, #tpu.memory_space<hbm>>
    tpu.enqueue_dma source(%dma_start3A_62 : memref<128xi32, #tpu.memory_space<hbm>>) target(%dma_start3A_59 : memref<128xi32, #tpu.memory_space<vmem>>) target_semaphore(%arg12 : memref<!tpu.dma_semaphore, #tpu.memory_space<semaphore_mem>>)
    %dma_start3A_63 = arith.constant 0 : i32
    %dma_start3A_64 = arith.constant 0 : i32
    %dma_start3A_65 = arith.constant 0 : i32
    %dma_start3A_66 = tpu.memref_slice %arg8[%dma_start3A_64, %dma_start3A_65] : memref<2x128xi32, #tpu.memory_space<vmem>> -> memref<1x128xi32, #tpu.memory_space<vmem>>
    %dma_start3A_67 = tpu.memref_squeeze %dma_start3A_66 : memref<1x128xi32, #tpu.memory_space<vmem>> -> memref<128xi32, #tpu.memory_space<vmem>>
    %dma_start3A_68 = arith.constant 0 : i32
    %dma_start3A_69 = tpu.memref_slice %arg5[%arg1, %dma_start3A_63, %dma_start3A_68] : memref<16x160x128xi32, #tpu.memory_space<hbm>> -> memref<1x1x128xi32, #tpu.memory_space<hbm>>
    %dma_start3A_70 = tpu.memref_squeeze %dma_start3A_69 : memref<1x1x128xi32, #tpu.memory_space<hbm>> -> memref<128xi32, #tpu.memory_space<hbm>>
    %dma_start3A_71 = arith.constant 0 : i32
    %dma_start3A_72 = tpu.memref_slice %arg8[%dma_start3A_64, %dma_start3A_71] : memref<2x128xi32, #tpu.memory_space<vmem>> -> memref<1x128xi32, #tpu.memory_space<vmem>>
    %dma_start3A_73 = tpu.memref_squeeze %dma_start3A_72 : memref<1x128xi32, #tpu.memory_space<vmem>> -> memref<128xi32, #tpu.memory_space<vmem>>
    %dma_start3A_74 = arith.constant 0 : i32
    %dma_start3A_75 = tpu.memref_slice %arg5[%arg1, %dma_start3A_63, %dma_start3A_74] : memref<16x160x128xi32, #tpu.memory_space<hbm>> -> memref<1x1x128xi32, #tpu.memory_space<hbm>>
    %dma_start3A_76 = tpu.memref_squeeze %dma_start3A_75 : memref<1x1x128xi32, #tpu.memory_space<hbm>> -> memref<128xi32, #tpu.memory_space<hbm>>
    tpu.enqueue_dma source(%dma_start3A_76 : memref<128xi32, #tpu.memory_space<hbm>>) target(%dma_start3A_73 : memref<128xi32, #tpu.memory_space<vmem>>) target_semaphore(%arg13 : memref<!tpu.dma_semaphore, #tpu.memory_space<semaphore_mem>>)
    %dma_start3A_77 = arith.constant 1 : i32
    %dma_start3A_78 = arith.constant 1 : i32
    %dma_start3A_79 = arith.constant 0 : i32
    %dma_start3A_80 = tpu.memref_slice %arg8[%dma_start3A_78, %dma_start3A_79] : memref<2x128xi32, #tpu.memory_space<vmem>> -> memref<1x128xi32, #tpu.memory_space<vmem>>
    %dma_start3A_81 = tpu.memref_squeeze %dma_start3A_80 : memref<1x128xi32, #tpu.memory_space<vmem>> -> memref<128xi32, #tpu.memory_space<vmem>>
    %dma_start3A_82 = arith.constant 0 : i32
    %dma_start3A_83 = tpu.memref_slice %arg5[%arg1, %dma_start3A_77, %dma_start3A_82] : memref<16x160x128xi32, #tpu.memory_space<hbm>> -> memref<1x1x128xi32, #tpu.memory_space<hbm>>
    %dma_start3A_84 = tpu.memref_squeeze %dma_start3A_83 : memref<1x1x128xi32, #tpu.memory_space<hbm>> -> memref<128xi32, #tpu.memory_space<hbm>>
    %dma_start3A_85 = arith.constant 0 : i32
    %dma_start3A_86 = tpu.memref_slice %arg8[%dma_start3A_78, %dma_start3A_85] : memref<2x128xi32, #tpu.memory_space<vmem>> -> memref<1x128xi32, #tpu.memory_space<vmem>>
    %dma_start3A_87 = tpu.memref_squeeze %dma_start3A_86 : memref<1x128xi32, #tpu.memory_space<vmem>> -> memref<128xi32, #tpu.memory_space<vmem>>
    %dma_start3A_88 = arith.constant 0 : i32
    %dma_start3A_89 = tpu.memref_slice %arg5[%arg1, %dma_start3A_77, %dma_start3A_88] : memref<16x160x128xi32, #tpu.memory_space<hbm>> -> memref<1x1x128xi32, #tpu.memory_space<hbm>>
    %dma_start3A_90 = tpu.memref_squeeze %dma_start3A_89 : memref<1x1x128xi32, #tpu.memory_space<hbm>> -> memref<128xi32, #tpu.memory_space<hbm>>
    tpu.enqueue_dma source(%dma_start3A_90 : memref<128xi32, #tpu.memory_space<hbm>>) target(%dma_start3A_87 : memref<128xi32, #tpu.memory_space<vmem>>) target_semaphore(%arg13 : memref<!tpu.dma_semaphore, #tpu.memory_space<semaphore_mem>>)
    %barrier3A = arith.constant 0 : index
    tpu.barrier barrier_id(%barrier3A)
    %dma_wait3A = arith.constant 0 : i32
    %dma_wait3A_91 = arith.constant 0 : i32
    %dma_wait3A_92 = arith.constant 0 : i32
    %dma_wait3A_93 = arith.constant 0 : i32
    %dma_wait3A_94 = tpu.memref_slice %arg7[%dma_wait3A_92, %dma_wait3A_93] : memref<2x128xi32, #tpu.memory_space<vmem>> -> memref<1x128xi32, #tpu.memory_space<vmem>>
    %dma_wait3A_95 = tpu.memref_squeeze %dma_wait3A_94 : memref<1x128xi32, #tpu.memory_space<vmem>> -> memref<128xi32, #tpu.memory_space<vmem>>
    %dma_wait3A_96 = arith.constant 0 : i32
    %dma_wait3A_97 = tpu.memref_slice %arg4[%dma_wait3A, %dma_wait3A_91, %dma_wait3A_96] : memref<16x160x128xi32, #tpu.memory_space<hbm>> -> memref<1x1x128xi32, #tpu.memory_space<hbm>>
    %dma_wait3A_98 = tpu.memref_squeeze %dma_wait3A_97 : memref<1x1x128xi32, #tpu.memory_space<hbm>> -> memref<128xi32, #tpu.memory_space<hbm>>
    %dma_wait3A_99 = arith.constant 0 : i32
    %dma_wait3A_100 = tpu.memref_slice %arg7[%dma_wait3A_92, %dma_wait3A_99] : memref<2x128xi32, #tpu.memory_space<vmem>> -> memref<1x128xi32, #tpu.memory_space<vmem>>
    %dma_wait3A_101 = tpu.memref_squeeze %dma_wait3A_100 : memref<1x128xi32, #tpu.memory_space<vmem>> -> memref<128xi32, #tpu.memory_space<vmem>>
    %dma_wait3A_102 = arith.constant 0 : i32
    %dma_wait3A_103 = tpu.memref_slice %arg4[%dma_wait3A, %dma_wait3A_91, %dma_wait3A_102] : memref<16x160x128xi32, #tpu.memory_space<hbm>> -> memref<1x1x128xi32, #tpu.memory_space<hbm>>
    %dma_wait3A_104 = tpu.memref_squeeze %dma_wait3A_103 : memref<1x1x128xi32, #tpu.memory_space<hbm>> -> memref<128xi32, #tpu.memory_space<hbm>>
    tpu.wait_dma2 semaphore(%arg12 : memref<!tpu.dma_semaphore, #tpu.memory_space<semaphore_mem>>) src(%dma_wait3A_104 : memref<128xi32, #tpu.memory_space<hbm>>) dst(%dma_wait3A_101 : memref<128xi32, #tpu.memory_space<vmem>>)
    %dma_start3A_105 = arith.constant 0 : i32
    %dma_start3A_106 = arith.constant 0 : i32
    %dma_start3A_107 = arith.constant 0 : i32
    %dma_start3A_108 = arith.constant 0 : i32
    %dma_start3A_109 = tpu.memref_slice %arg9[%dma_start3A_106, %dma_start3A_107, %dma_start3A_108] : memref<2x128x64xf32, #tpu.memory_space<vmem>> -> memref<1x128x64xf32, #tpu.memory_space<vmem>>
    %dma_start3A_110 = tpu.memref_squeeze %dma_start3A_109 : memref<1x128x64xf32, #tpu.memory_space<vmem>> -> memref<128x64xf32, #tpu.memory_space<vmem>>
    %dma_start3A_111 = arith.constant 0 : i32
    %dma_start3A_112 = tpu.memref_slice %arg7[%dma_start3A_105, %dma_start3A_111] : memref<2x128xi32, #tpu.memory_space<vmem>> -> memref<1x128xi32, #tpu.memory_space<vmem>>
    %dma_start3A_113 = tpu.memref_squeeze %dma_start3A_112 : memref<1x128xi32, #tpu.memory_space<vmem>> -> memref<128xi32, #tpu.memory_space<vmem>>
    %dma_start3A_114 = arith.constant 0 : i32
    %dma_start3A_115 = arith.constant 0 : i32
    %dma_start3A_116 = tpu.memref_slice %arg10[%dma_start3A_114, %dma_start3A_115] : memref<10000x64xf32, #tpu.memory_space<vmem_shared>> -> memref<10000x64xf32, #tpu.memory_space<vmem_shared>>
    tpu.enqueue_indirect_dma source(%dma_start3A_116 : memref<10000x64xf32, #tpu.memory_space<vmem_shared>>) target(%dma_start3A_110 : memref<128x64xf32, #tpu.memory_space<vmem>>) offsets(%dma_start3A_113 : memref<128xi32, #tpu.memory_space<vmem>>) semaphore(%arg14 : memref<!tpu.dma_semaphore, #tpu.memory_space<semaphore_mem>>)
    %scan3A_117 = arith.constant 0 : i32
    %scan3A_118 = arith.constant 0 : i32
    %scan3A_119 = arith.constant 80 : i32
    %scan3A_120 = arith.addi %scan3A_118, %scan3A_119 : i32
    %scan3A_121 = arith.constant 1 : i32
    %scan3A_122 = scf.for %scan3A_129 = %scan3A_118 to %scan3A_120 step %scan3A_121 iter_args(%scan3A_130 = %scan3A_117) -> (i32)  : i32 {
      %mul3A_131 = arith.constant 2 : i32
      %mul3A_132 = arith.muli %scan3A_129, %mul3A_131 : i32
      %add3A_133 = arith.constant 0 : i32
      %add3A_134 = arith.addi %mul3A_132, %add3A_133 : i32
      %dma_wait3A_135 = arith.constant 0 : i32
      %dma_wait3A_136 = arith.constant 0 : i32
      %dma_wait3A_137 = arith.constant 0 : i32
      %dma_wait3A_138 = arith.constant 0 : i32
      %dma_wait3A_139 = tpu.memref_slice %arg9[%dma_wait3A_136, %dma_wait3A_137, %dma_wait3A_138] : memref<2x128x64xf32, #tpu.memory_space<vmem>> -> memref<1x128x64xf32, #tpu.memory_space<vmem>>
      %dma_wait3A_140 = tpu.memref_squeeze %dma_wait3A_139 : memref<1x128x64xf32, #tpu.memory_space<vmem>> -> memref<128x64xf32, #tpu.memory_space<vmem>>
      %dma_wait3A_141 = arith.constant 0 : i32
      %dma_wait3A_142 = tpu.memref_slice %arg7[%dma_wait3A_135, %dma_wait3A_141] : memref<2x128xi32, #tpu.memory_space<vmem>> -> memref<1x128xi32, #tpu.memory_space<vmem>>
      %dma_wait3A_143 = tpu.memref_squeeze %dma_wait3A_142 : memref<1x128xi32, #tpu.memory_space<vmem>> -> memref<128xi32, #tpu.memory_space<vmem>>
      %dma_wait3A_144 = arith.constant 0 : i32
      %dma_wait3A_145 = arith.constant 0 : i32
      %dma_wait3A_146 = tpu.memref_slice %arg10[%dma_wait3A_144, %dma_wait3A_145] : memref<10000x64xf32, #tpu.memory_space<vmem_shared>> -> memref<10000x64xf32, #tpu.memory_space<vmem_shared>>
      tpu.wait_indirect_dma semaphore(%arg14 : memref<!tpu.dma_semaphore, #tpu.memory_space<semaphore_mem>>) src(%dma_wait3A_146 : memref<10000x64xf32, #tpu.memory_space<vmem_shared>>) dst(%dma_wait3A_140 : memref<128x64xf32, #tpu.memory_space<vmem>>)
      %add3A_147 = arith.constant 1 : i32
      %add3A_148 = arith.addi %add3A_134, %add3A_147 : i32
      %lt3A = arith.constant 160 : i32
      %lt3A_149 = arith.cmpi slt, %add3A_148, %lt3A : i32
      %convert_element_type3A_150 = arith.extui %lt3A_149 : i1 to i32
      %cond3A_151 = arith.constant 0 : i32
      %cond3A_152 = arith.cmpi ne, %convert_element_type3A_150, %cond3A_151 : i32
      scf.if %cond3A_152 {
        %dma_wait3A_239 = arith.constant 0 : i32
        %dma_wait3A_240 = arith.constant 0 : i32
        %dma_wait3A_241 = arith.constant 1 : i32
        %dma_wait3A_242 = arith.constant 0 : i32
        %dma_wait3A_243 = tpu.memref_slice %arg7[%dma_wait3A_241, %dma_wait3A_242] : memref<2x128xi32, #tpu.memory_space<vmem>> -> memref<1x128xi32, #tpu.memory_space<vmem>>
        %dma_wait3A_244 = tpu.memref_squeeze %dma_wait3A_243 : memref<1x128xi32, #tpu.memory_space<vmem>> -> memref<128xi32, #tpu.memory_space<vmem>>
        %dma_wait3A_245 = arith.constant 0 : i32
        %dma_wait3A_246 = tpu.memref_slice %arg4[%dma_wait3A_239, %dma_wait3A_240, %dma_wait3A_245] : memref<16x160x128xi32, #tpu.memory_space<hbm>> -> memref<1x1x128xi32, #tpu.memory_space<hbm>>
        %dma_wait3A_247 = tpu.memref_squeeze %dma_wait3A_246 : memref<1x1x128xi32, #tpu.memory_space<hbm>> -> memref<128xi32, #tpu.memory_space<hbm>>
        %dma_wait3A_248 = arith.constant 0 : i32
        %dma_wait3A_249 = tpu.memref_slice %arg7[%dma_wait3A_241, %dma_wait3A_248] : memref<2x128xi32, #tpu.memory_space<vmem>> -> memref<1x128xi32, #tpu.memory_space<vmem>>
        %dma_wait3A_250 = tpu.memref_squeeze %dma_wait3A_249 : memref<1x128xi32, #tpu.memory_space<vmem>> -> memref<128xi32, #tpu.memory_space<vmem>>
        %dma_wait3A_251 = arith.constant 0 : i32
        %dma_wait3A_252 = tpu.memref_slice %arg4[%dma_wait3A_239, %dma_wait3A_240, %dma_wait3A_251] : memref<16x160x128xi32, #tpu.memory_space<hbm>> -> memref<1x1x128xi32, #tpu.memory_space<hbm>>
        %dma_wait3A_253 = tpu.memref_squeeze %dma_wait3A_252 : memref<1x1x128xi32, #tpu.memory_space<hbm>> -> memref<128xi32, #tpu.memory_space<hbm>>
        tpu.wait_dma2 semaphore(%arg12 : memref<!tpu.dma_semaphore, #tpu.memory_space<semaphore_mem>>) src(%dma_wait3A_253 : memref<128xi32, #tpu.memory_space<hbm>>) dst(%dma_wait3A_250 : memref<128xi32, #tpu.memory_space<vmem>>)
        %dma_start3A_254 = arith.constant 1 : i32
        %dma_start3A_255 = arith.constant 1 : i32
        %dma_start3A_256 = arith.constant 0 : i32
        %dma_start3A_257 = arith.constant 0 : i32
        %dma_start3A_258 = tpu.memref_slice %arg9[%dma_start3A_255, %dma_start3A_256, %dma_start3A_257] : memref<2x128x64xf32, #tpu.memory_space<vmem>> -> memref<1x128x64xf32, #tpu.memory_space<vmem>>
        %dma_start3A_259 = tpu.memref_squeeze %dma_start3A_258 : memref<1x128x64xf32, #tpu.memory_space<vmem>> -> memref<128x64xf32, #tpu.memory_space<vmem>>
        %dma_start3A_260 = arith.constant 0 : i32
        %dma_start3A_261 = tpu.memref_slice %arg7[%dma_start3A_254, %dma_start3A_260] : memref<2x128xi32, #tpu.memory_space<vmem>> -> memref<1x128xi32, #tpu.memory_space<vmem>>
        %dma_start3A_262 = tpu.memref_squeeze %dma_start3A_261 : memref<1x128xi32, #tpu.memory_space<vmem>> -> memref<128xi32, #tpu.memory_space<vmem>>
        %dma_start3A_263 = arith.constant 0 : i32
        %dma_start3A_264 = arith.constant 0 : i32
        %dma_start3A_265 = tpu.memref_slice %arg10[%dma_start3A_263, %dma_start3A_264] : memref<10000x64xf32, #tpu.memory_space<vmem_shared>> -> memref<10000x64xf32, #tpu.memory_space<vmem_shared>>
        tpu.enqueue_indirect_dma source(%dma_start3A_265 : memref<10000x64xf32, #tpu.memory_space<vmem_shared>>) target(%dma_start3A_259 : memref<128x64xf32, #tpu.memory_space<vmem>>) offsets(%dma_start3A_262 : memref<128xi32, #tpu.memory_space<vmem>>) semaphore(%arg14 : memref<!tpu.dma_semaphore, #tpu.memory_space<semaphore_mem>>)
      } else {
      }
      %add3A_153 = arith.constant 2 : i32
      %add3A_154 = arith.addi %add3A_134, %add3A_153 : i32
      %lt3A_155 = arith.constant 160 : i32
      %lt3A_156 = arith.cmpi slt, %add3A_154, %lt3A_155 : i32
      %convert_element_type3A_157 = arith.extui %lt3A_156 : i1 to i32
      %cond3A_158 = arith.constant 0 : i32
      %cond3A_159 = arith.cmpi ne, %convert_element_type3A_157, %cond3A_158 : i32
      scf.if %cond3A_159 {
        %add3A_239 = arith.constant 2 : i32
        %add3A_240 = arith.addi %add3A_134, %add3A_239 : i32
        %dma_start3A_241 = arith.constant 0 : i32
        %dma_start3A_242 = arith.constant 0 : i32
        %dma_start3A_243 = tpu.memref_slice %arg7[%dma_start3A_241, %dma_start3A_242] : memref<2x128xi32, #tpu.memory_space<vmem>> -> memref<1x128xi32, #tpu.memory_space<vmem>>
        %dma_start3A_244 = tpu.memref_squeeze %dma_start3A_243 : memref<1x128xi32, #tpu.memory_space<vmem>> -> memref<128xi32, #tpu.memory_space<vmem>>
        %dma_start3A_245 = arith.constant 0 : i32
        %dma_start3A_246 = tpu.memref_slice %arg4[%arg1, %add3A_240, %dma_start3A_245] : memref<16x160x128xi32, #tpu.memory_space<hbm>> -> memref<1x1x128xi32, #tpu.memory_space<hbm>>
        %dma_start3A_247 = tpu.memref_squeeze %dma_start3A_246 : memref<1x1x128xi32, #tpu.memory_space<hbm>> -> memref<128xi32, #tpu.memory_space<hbm>>
        %dma_start3A_248 = arith.constant 0 : i32
        %dma_start3A_249 = tpu.memref_slice %arg7[%dma_start3A_241, %dma_start3A_248] : memref<2x128xi32, #tpu.memory_space<vmem>> -> memref<1x128xi32, #tpu.memory_space<vmem>>
        %dma_start3A_250 = tpu.memref_squeeze %dma_start3A_249 : memref<1x128xi32, #tpu.memory_space<vmem>> -> memref<128xi32, #tpu.memory_space<vmem>>
        %dma_start3A_251 = arith.constant 0 : i32
        %dma_start3A_252 = tpu.memref_slice %arg4[%arg1, %add3A_240, %dma_start3A_251] : memref<16x160x128xi32, #tpu.memory_space<hbm>> -> memref<1x1x128xi32, #tpu.memory_space<hbm>>
        %dma_start3A_253 = tpu.memref_squeeze %dma_start3A_252 : memref<1x1x128xi32, #tpu.memory_space<hbm>> -> memref<128xi32, #tpu.memory_space<hbm>>
        tpu.enqueue_dma source(%dma_start3A_253 : memref<128xi32, #tpu.memory_space<hbm>>) target(%dma_start3A_250 : memref<128xi32, #tpu.memory_space<vmem>>) target_semaphore(%arg12 : memref<!tpu.dma_semaphore, #tpu.memory_space<semaphore_mem>>)
      } else {
      }
      %dma_wait3A_160 = arith.constant 0 : i32
      %dma_wait3A_161 = arith.constant 0 : i32
      %dma_wait3A_162 = arith.constant 0 : i32
      %dma_wait3A_163 = arith.constant 0 : i32
      %dma_wait3A_164 = tpu.memref_slice %arg8[%dma_wait3A_162, %dma_wait3A_163] : memref<2x128xi32, #tpu.memory_space<vmem>> -> memref<1x128xi32, #tpu.memory_space<vmem>>
      %dma_wait3A_165 = tpu.memref_squeeze %dma_wait3A_164 : memref<1x128xi32, #tpu.memory_space<vmem>> -> memref<128xi32, #tpu.memory_space<vmem>>
      %dma_wait3A_166 = arith.constant 0 : i32
      %dma_wait3A_167 = tpu.memref_slice %arg5[%dma_wait3A_160, %dma_wait3A_161, %dma_wait3A_166] : memref<16x160x128xi32, #tpu.memory_space<hbm>> -> memref<1x1x128xi32, #tpu.memory_space<hbm>>
      %dma_wait3A_168 = tpu.memref_squeeze %dma_wait3A_167 : memref<1x1x128xi32, #tpu.memory_space<hbm>> -> memref<128xi32, #tpu.memory_space<hbm>>
      %dma_wait3A_169 = arith.constant 0 : i32
      %dma_wait3A_170 = tpu.memref_slice %arg8[%dma_wait3A_162, %dma_wait3A_169] : memref<2x128xi32, #tpu.memory_space<vmem>> -> memref<1x128xi32, #tpu.memory_space<vmem>>
      %dma_wait3A_171 = tpu.memref_squeeze %dma_wait3A_170 : memref<1x128xi32, #tpu.memory_space<vmem>> -> memref<128xi32, #tpu.memory_space<vmem>>
      %dma_wait3A_172 = arith.constant 0 : i32
      %dma_wait3A_173 = tpu.memref_slice %arg5[%dma_wait3A_160, %dma_wait3A_161, %dma_wait3A_172] : memref<16x160x128xi32, #tpu.memory_space<hbm>> -> memref<1x1x128xi32, #tpu.memory_space<hbm>>
      %dma_wait3A_174 = tpu.memref_squeeze %dma_wait3A_173 : memref<1x1x128xi32, #tpu.memory_space<hbm>> -> memref<128xi32, #tpu.memory_space<hbm>>
      tpu.wait_dma2 semaphore(%arg13 : memref<!tpu.dma_semaphore, #tpu.memory_space<semaphore_mem>>) src(%dma_wait3A_174 : memref<128xi32, #tpu.memory_space<hbm>>) dst(%dma_wait3A_171 : memref<128xi32, #tpu.memory_space<vmem>>)
      %run_scoped3A_175 = arith.constant 0 : i32
      %run_scoped3A_176 = arith.constant 0 : i32
      "tpu.region"() ({
        %run_scoped3A_239 = tpu.sem_alloc : memref<!tpu.dma_semaphore, #tpu.memory_space<semaphore_mem>>
        %dma_start3A_240 = arith.constant 0 : i32
        %dma_start3A_241 = arith.constant 0 : i32
        %dma_start3A_242 = tpu.memref_slice %arg9[%run_scoped3A_175, %dma_start3A_240, %dma_start3A_241] : memref<2x128x64xf32, #tpu.memory_space<vmem>> -> memref<1x128x64xf32, #tpu.memory_space<vmem>>
        %dma_start3A_243 = tpu.memref_squeeze %dma_start3A_242 : memref<1x128x64xf32, #tpu.memory_space<vmem>> -> memref<128x64xf32, #tpu.memory_space<vmem>>
        %dma_start3A_244 = arith.constant 0 : i32
        %dma_start3A_245 = tpu.memref_slice %arg8[%run_scoped3A_176, %dma_start3A_244] : memref<2x128xi32, #tpu.memory_space<vmem>> -> memref<1x128xi32, #tpu.memory_space<vmem>>
        %dma_start3A_246 = tpu.memref_squeeze %dma_start3A_245 : memref<1x128xi32, #tpu.memory_space<vmem>> -> memref<128xi32, #tpu.memory_space<vmem>>
        %dma_start3A_247 = arith.constant 0 : i32
        %dma_start3A_248 = arith.constant 0 : i32
        %dma_start3A_249 = tpu.memref_slice %arg11[%dma_start3A_247, %dma_start3A_248] : memref<10240x64xf32, #tpu.memory_space<vmem_shared>> -> memref<10240x64xf32, #tpu.memory_space<vmem_shared>>
        tpu.enqueue_indirect_dma source(%dma_start3A_243 : memref<128x64xf32, #tpu.memory_space<vmem>>) target(%dma_start3A_249 : memref<10240x64xf32, #tpu.memory_space<vmem_shared>>) offsets(%dma_start3A_246 : memref<128xi32, #tpu.memory_space<vmem>>) semaphore(%run_scoped3A_239 : memref<!tpu.dma_semaphore, #tpu.memory_space<semaphore_mem>>) {add = true}
        %dma_wait3A_250 = arith.constant 0 : i32
        %dma_wait3A_251 = arith.constant 0 : i32
        %dma_wait3A_252 = tpu.memref_slice %arg9[%run_scoped3A_175, %dma_wait3A_250, %dma_wait3A_251] : memref<2x128x64xf32, #tpu.memory_space<vmem>> -> memref<1x128x64xf32, #tpu.memory_space<vmem>>
        %dma_wait3A_253 = tpu.memref_squeeze %dma_wait3A_252 : memref<1x128x64xf32, #tpu.memory_space<vmem>> -> memref<128x64xf32, #tpu.memory_space<vmem>>
        %dma_wait3A_254 = arith.constant 0 : i32
        %dma_wait3A_255 = tpu.memref_slice %arg8[%run_scoped3A_176, %dma_wait3A_254] : memref<2x128xi32, #tpu.memory_space<vmem>> -> memref<1x128xi32, #tpu.memory_space<vmem>>
        %dma_wait3A_256 = tpu.memref_squeeze %dma_wait3A_255 : memref<1x128xi32, #tpu.memory_space<vmem>> -> memref<128xi32, #tpu.memory_space<vmem>>
        %dma_wait3A_257 = arith.constant 0 : i32
        %dma_wait3A_258 = arith.constant 0 : i32
        %dma_wait3A_259 = tpu.memref_slice %arg11[%dma_wait3A_257, %dma_wait3A_258] : memref<10240x64xf32, #tpu.memory_space<vmem_shared>> -> memref<10240x64xf32, #tpu.memory_space<vmem_shared>>
        tpu.wait_indirect_dma semaphore(%run_scoped3A_239 : memref<!tpu.dma_semaphore, #tpu.memory_space<semaphore_mem>>) src(%dma_wait3A_253 : memref<128x64xf32, #tpu.memory_space<vmem>>) dst(%dma_wait3A_259 : memref<10240x64xf32, #tpu.memory_space<vmem_shared>>)
        tpu.yield
      }) : () -> ()
      %add3A_177 = arith.constant 2 : i32
      %add3A_178 = arith.addi %add3A_134, %add3A_177 : i32
      %lt3A_179 = arith.constant 160 : i32
      %lt3A_180 = arith.cmpi slt, %add3A_178, %lt3A_179 : i32
      %convert_element_type3A_181 = arith.extui %lt3A_180 : i1 to i32
      %cond3A_182 = arith.constant 0 : i32
      %cond3A_183 = arith.cmpi ne, %convert_element_type3A_181, %cond3A_182 : i32
      scf.if %cond3A_183 {
        %add3A_239 = arith.constant 2 : i32
        %add3A_240 = arith.addi %add3A_134, %add3A_239 : i32
        %dma_start3A_241 = arith.constant 0 : i32
        %dma_start3A_242 = arith.constant 0 : i32
        %dma_start3A_243 = tpu.memref_slice %arg8[%dma_start3A_241, %dma_start3A_242] : memref<2x128xi32, #tpu.memory_space<vmem>> -> memref<1x128xi32, #tpu.memory_space<vmem>>
        %dma_start3A_244 = tpu.memref_squeeze %dma_start3A_243 : memref<1x128xi32, #tpu.memory_space<vmem>> -> memref<128xi32, #tpu.memory_space<vmem>>
        %dma_start3A_245 = arith.constant 0 : i32
        %dma_start3A_246 = tpu.memref_slice %arg5[%arg1, %add3A_240, %dma_start3A_245] : memref<16x160x128xi32, #tpu.memory_space<hbm>> -> memref<1x1x128xi32, #tpu.memory_space<hbm>>
        %dma_start3A_247 = tpu.memref_squeeze %dma_start3A_246 : memref<1x1x128xi32, #tpu.memory_space<hbm>> -> memref<128xi32, #tpu.memory_space<hbm>>
        %dma_start3A_248 = arith.constant 0 : i32
        %dma_start3A_249 = tpu.memref_slice %arg8[%dma_start3A_241, %dma_start3A_248] : memref<2x128xi32, #tpu.memory_space<vmem>> -> memref<1x128xi32, #tpu.memory_space<vmem>>
        %dma_start3A_250 = tpu.memref_squeeze %dma_start3A_249 : memref<1x128xi32, #tpu.memory_space<vmem>> -> memref<128xi32, #tpu.memory_space<vmem>>
        %dma_start3A_251 = arith.constant 0 : i32
        %dma_start3A_252 = tpu.memref_slice %arg5[%arg1, %add3A_240, %dma_start3A_251] : memref<16x160x128xi32, #tpu.memory_space<hbm>> -> memref<1x1x128xi32, #tpu.memory_space<hbm>>
        %dma_start3A_253 = tpu.memref_squeeze %dma_start3A_252 : memref<1x1x128xi32, #tpu.memory_space<hbm>> -> memref<128xi32, #tpu.memory_space<hbm>>
        tpu.enqueue_dma source(%dma_start3A_253 : memref<128xi32, #tpu.memory_space<hbm>>) target(%dma_start3A_250 : memref<128xi32, #tpu.memory_space<vmem>>) target_semaphore(%arg13 : memref<!tpu.dma_semaphore, #tpu.memory_space<semaphore_mem>>)
      } else {
      }
      %mul3A_184 = arith.constant 2 : i32
      %mul3A_185 = arith.muli %scan3A_129, %mul3A_184 : i32
      %add3A_186 = arith.constant 1 : i32
      %add3A_187 = arith.addi %mul3A_185, %add3A_186 : i32
      %dma_wait3A_188 = arith.constant 1 : i32
      %dma_wait3A_189 = arith.constant 1 : i32
      %dma_wait3A_190 = arith.constant 0 : i32
      %dma_wait3A_191 = arith.constant 0 : i32
      %dma_wait3A_192 = tpu.memref_slice %arg9[%dma_wait3A_189, %dma_wait3A_190, %dma_wait3A_191] : memref<2x128x64xf32, #tpu.memory_space<vmem>> -> memref<1x128x64xf32, #tpu.memory_space<vmem>>
      %dma_wait3A_193 = tpu.memref_squeeze %dma_wait3A_192 : memref<1x128x64xf32, #tpu.memory_space<vmem>> -> memref<128x64xf32, #tpu.memory_space<vmem>>
      %dma_wait3A_194 = arith.constant 0 : i32
      %dma_wait3A_195 = tpu.memref_slice %arg7[%dma_wait3A_188, %dma_wait3A_194] : memref<2x128xi32, #tpu.memory_space<vmem>> -> memref<1x128xi32, #tpu.memory_space<vmem>>
      %dma_wait3A_196 = tpu.memref_squeeze %dma_wait3A_195 : memref<1x128xi32, #tpu.memory_space<vmem>> -> memref<128xi32, #tpu.memory_space<vmem>>
      %dma_wait3A_197 = arith.constant 0 : i32
      %dma_wait3A_198 = arith.constant 0 : i32
      %dma_wait3A_199 = tpu.memref_slice %arg10[%dma_wait3A_197, %dma_wait3A_198] : memref<10000x64xf32, #tpu.memory_space<vmem_shared>> -> memref<10000x64xf32, #tpu.memory_space<vmem_shared>>
      tpu.wait_indirect_dma semaphore(%arg14 : memref<!tpu.dma_semaphore, #tpu.memory_space<semaphore_mem>>) src(%dma_wait3A_199 : memref<10000x64xf32, #tpu.memory_space<vmem_shared>>) dst(%dma_wait3A_193 : memref<128x64xf32, #tpu.memory_space<vmem>>)
      %add3A_200 = arith.constant 1 : i32
      %add3A_201 = arith.addi %add3A_187, %add3A_200 : i32
      %lt3A_202 = arith.constant 160 : i32
      %lt3A_203 = arith.cmpi slt, %add3A_201, %lt3A_202 : i32
      %convert_element_type3A_204 = arith.extui %lt3A_203 : i1 to i32
      %cond3A_205 = arith.constant 0 : i32
      %cond3A_206 = arith.cmpi ne, %convert_element_type3A_204, %cond3A_205 : i32
      scf.if %cond3A_206 {
        %dma_wait3A_239 = arith.constant 0 : i32
        %dma_wait3A_240 = arith.constant 0 : i32
        %dma_wait3A_241 = arith.constant 0 : i32
        %dma_wait3A_242 = arith.constant 0 : i32
        %dma_wait3A_243 = tpu.memref_slice %arg7[%dma_wait3A_241, %dma_wait3A_242] : memref<2x128xi32, #tpu.memory_space<vmem>> -> memref<1x128xi32, #tpu.memory_space<vmem>>
        %dma_wait3A_244 = tpu.memref_squeeze %dma_wait3A_243 : memref<1x128xi32, #tpu.memory_space<vmem>> -> memref<128xi32, #tpu.memory_space<vmem>>
        %dma_wait3A_245 = arith.constant 0 : i32
        %dma_wait3A_246 = tpu.memref_slice %arg4[%dma_wait3A_239, %dma_wait3A_240, %dma_wait3A_245] : memref<16x160x128xi32, #tpu.memory_space<hbm>> -> memref<1x1x128xi32, #tpu.memory_space<hbm>>
        %dma_wait3A_247 = tpu.memref_squeeze %dma_wait3A_246 : memref<1x1x128xi32, #tpu.memory_space<hbm>> -> memref<128xi32, #tpu.memory_space<hbm>>
        %dma_wait3A_248 = arith.constant 0 : i32
        %dma_wait3A_249 = tpu.memref_slice %arg7[%dma_wait3A_241, %dma_wait3A_248] : memref<2x128xi32, #tpu.memory_space<vmem>> -> memref<1x128xi32, #tpu.memory_space<vmem>>
        %dma_wait3A_250 = tpu.memref_squeeze %dma_wait3A_249 : memref<1x128xi32, #tpu.memory_space<vmem>> -> memref<128xi32, #tpu.memory_space<vmem>>
        %dma_wait3A_251 = arith.constant 0 : i32
        %dma_wait3A_252 = tpu.memref_slice %arg4[%dma_wait3A_239, %dma_wait3A_240, %dma_wait3A_251] : memref<16x160x128xi32, #tpu.memory_space<hbm>> -> memref<1x1x128xi32, #tpu.memory_space<hbm>>
        %dma_wait3A_253 = tpu.memref_squeeze %dma_wait3A_252 : memref<1x1x128xi32, #tpu.memory_space<hbm>> -> memref<128xi32, #tpu.memory_space<hbm>>
        tpu.wait_dma2 semaphore(%arg12 : memref<!tpu.dma_semaphore, #tpu.memory_space<semaphore_mem>>) src(%dma_wait3A_253 : memref<128xi32, #tpu.memory_space<hbm>>) dst(%dma_wait3A_250 : memref<128xi32, #tpu.memory_space<vmem>>)
        %dma_start3A_254 = arith.constant 0 : i32
        %dma_start3A_255 = arith.constant 0 : i32
        %dma_start3A_256 = arith.constant 0 : i32
        %dma_start3A_257 = arith.constant 0 : i32
        %dma_start3A_258 = tpu.memref_slice %arg9[%dma_start3A_255, %dma_start3A_256, %dma_start3A_257] : memref<2x128x64xf32, #tpu.memory_space<vmem>> -> memref<1x128x64xf32, #tpu.memory_space<vmem>>
        %dma_start3A_259 = tpu.memref_squeeze %dma_start3A_258 : memref<1x128x64xf32, #tpu.memory_space<vmem>> -> memref<128x64xf32, #tpu.memory_space<vmem>>
        %dma_start3A_260 = arith.constant 0 : i32
        %dma_start3A_261 = tpu.memref_slice %arg7[%dma_start3A_254, %dma_start3A_260] : memref<2x128xi32, #tpu.memory_space<vmem>> -> memref<1x128xi32, #tpu.memory_space<vmem>>
        %dma_start3A_262 = tpu.memref_squeeze %dma_start3A_261 : memref<1x128xi32, #tpu.memory_space<vmem>> -> memref<128xi32, #tpu.memory_space<vmem>>
        %dma_start3A_263 = arith.constant 0 : i32
        %dma_start3A_264 = arith.constant 0 : i32
        %dma_start3A_265 = tpu.memref_slice %arg10[%dma_start3A_263, %dma_start3A_264] : memref<10000x64xf32, #tpu.memory_space<vmem_shared>> -> memref<10000x64xf32, #tpu.memory_space<vmem_shared>>
        tpu.enqueue_indirect_dma source(%dma_start3A_265 : memref<10000x64xf32, #tpu.memory_space<vmem_shared>>) target(%dma_start3A_259 : memref<128x64xf32, #tpu.memory_space<vmem>>) offsets(%dma_start3A_262 : memref<128xi32, #tpu.memory_space<vmem>>) semaphore(%arg14 : memref<!tpu.dma_semaphore, #tpu.memory_space<semaphore_mem>>)
      } else {
      }
      %add3A_207 = arith.constant 2 : i32
      %add3A_208 = arith.addi %add3A_187, %add3A_207 : i32
      %lt3A_209 = arith.constant 160 : i32
      %lt3A_210 = arith.cmpi slt, %add3A_208, %lt3A_209 : i32
      %convert_element_type3A_211 = arith.extui %lt3A_210 : i1 to i32
      %cond3A_212 = arith.constant 0 : i32
      %cond3A_213 = arith.cmpi ne, %convert_element_type3A_211, %cond3A_212 : i32
      scf.if %cond3A_213 {
        %add3A_239 = arith.constant 2 : i32
        %add3A_240 = arith.addi %add3A_187, %add3A_239 : i32
        %dma_start3A_241 = arith.constant 1 : i32
        %dma_start3A_242 = arith.constant 0 : i32
        %dma_start3A_243 = tpu.memref_slice %arg7[%dma_start3A_241, %dma_start3A_242] : memref<2x128xi32, #tpu.memory_space<vmem>> -> memref<1x128xi32, #tpu.memory_space<vmem>>
        %dma_start3A_244 = tpu.memref_squeeze %dma_start3A_243 : memref<1x128xi32, #tpu.memory_space<vmem>> -> memref<128xi32, #tpu.memory_space<vmem>>
        %dma_start3A_245 = arith.constant 0 : i32
        %dma_start3A_246 = tpu.memref_slice %arg4[%arg1, %add3A_240, %dma_start3A_245] : memref<16x160x128xi32, #tpu.memory_space<hbm>> -> memref<1x1x128xi32, #tpu.memory_space<hbm>>
        %dma_start3A_247 = tpu.memref_squeeze %dma_start3A_246 : memref<1x1x128xi32, #tpu.memory_space<hbm>> -> memref<128xi32, #tpu.memory_space<hbm>>
        %dma_start3A_248 = arith.constant 0 : i32
        %dma_start3A_249 = tpu.memref_slice %arg7[%dma_start3A_241, %dma_start3A_248] : memref<2x128xi32, #tpu.memory_space<vmem>> -> memref<1x128xi32, #tpu.memory_space<vmem>>
        %dma_start3A_250 = tpu.memref_squeeze %dma_start3A_249 : memref<1x128xi32, #tpu.memory_space<vmem>> -> memref<128xi32, #tpu.memory_space<vmem>>
        %dma_start3A_251 = arith.constant 0 : i32
        %dma_start3A_252 = tpu.memref_slice %arg4[%arg1, %add3A_240, %dma_start3A_251] : memref<16x160x128xi32, #tpu.memory_space<hbm>> -> memref<1x1x128xi32, #tpu.memory_space<hbm>>
        %dma_start3A_253 = tpu.memref_squeeze %dma_start3A_252 : memref<1x1x128xi32, #tpu.memory_space<hbm>> -> memref<128xi32, #tpu.memory_space<hbm>>
        tpu.enqueue_dma source(%dma_start3A_253 : memref<128xi32, #tpu.memory_space<hbm>>) target(%dma_start3A_250 : memref<128xi32, #tpu.memory_space<vmem>>) target_semaphore(%arg12 : memref<!tpu.dma_semaphore, #tpu.memory_space<semaphore_mem>>)
      } else {
      }
      %dma_wait3A_214 = arith.constant 0 : i32
      %dma_wait3A_215 = arith.constant 0 : i32
      %dma_wait3A_216 = arith.constant 1 : i32
      %dma_wait3A_217 = arith.constant 0 : i32
      %dma_wait3A_218 = tpu.memref_slice %arg8[%dma_wait3A_216, %dma_wait3A_217] : memref<2x128xi32, #tpu.memory_space<vmem>> -> memref<1x128xi32, #tpu.memory_space<vmem>>
      %dma_wait3A_219 = tpu.memref_squeeze %dma_wait3A_218 : memref<1x128xi32, #tpu.memory_space<vmem>> -> memref<128xi32, #tpu.memory_space<vmem>>
      %dma_wait3A_220 = arith.constant 0 : i32
      %dma_wait3A_221 = tpu.memref_slice %arg5[%dma_wait3A_214, %dma_wait3A_215, %dma_wait3A_220] : memref<16x160x128xi32, #tpu.memory_space<hbm>> -> memref<1x1x128xi32, #tpu.memory_space<hbm>>
      %dma_wait3A_222 = tpu.memref_squeeze %dma_wait3A_221 : memref<1x1x128xi32, #tpu.memory_space<hbm>> -> memref<128xi32, #tpu.memory_space<hbm>>
      %dma_wait3A_223 = arith.constant 0 : i32
      %dma_wait3A_224 = tpu.memref_slice %arg8[%dma_wait3A_216, %dma_wait3A_223] : memref<2x128xi32, #tpu.memory_space<vmem>> -> memref<1x128xi32, #tpu.memory_space<vmem>>
      %dma_wait3A_225 = tpu.memref_squeeze %dma_wait3A_224 : memref<1x128xi32, #tpu.memory_space<vmem>> -> memref<128xi32, #tpu.memory_space<vmem>>
      %dma_wait3A_226 = arith.constant 0 : i32
      %dma_wait3A_227 = tpu.memref_slice %arg5[%dma_wait3A_214, %dma_wait3A_215, %dma_wait3A_226] : memref<16x160x128xi32, #tpu.memory_space<hbm>> -> memref<1x1x128xi32, #tpu.memory_space<hbm>>
      %dma_wait3A_228 = tpu.memref_squeeze %dma_wait3A_227 : memref<1x1x128xi32, #tpu.memory_space<hbm>> -> memref<128xi32, #tpu.memory_space<hbm>>
      tpu.wait_dma2 semaphore(%arg13 : memref<!tpu.dma_semaphore, #tpu.memory_space<semaphore_mem>>) src(%dma_wait3A_228 : memref<128xi32, #tpu.memory_space<hbm>>) dst(%dma_wait3A_225 : memref<128xi32, #tpu.memory_space<vmem>>)
      %run_scoped3A_229 = arith.constant 1 : i32
      %run_scoped3A_230 = arith.constant 1 : i32
      "tpu.region"() ({
        %run_scoped3A_239 = tpu.sem_alloc : memref<!tpu.dma_semaphore, #tpu.memory_space<semaphore_mem>>
        %dma_start3A_240 = arith.constant 0 : i32
        %dma_start3A_241 = arith.constant 0 : i32
        %dma_start3A_242 = tpu.memref_slice %arg9[%run_scoped3A_229, %dma_start3A_240, %dma_start3A_241] : memref<2x128x64xf32, #tpu.memory_space<vmem>> -> memref<1x128x64xf32, #tpu.memory_space<vmem>>
        %dma_start3A_243 = tpu.memref_squeeze %dma_start3A_242 : memref<1x128x64xf32, #tpu.memory_space<vmem>> -> memref<128x64xf32, #tpu.memory_space<vmem>>
        %dma_start3A_244 = arith.constant 0 : i32
        %dma_start3A_245 = tpu.memref_slice %arg8[%run_scoped3A_230, %dma_start3A_244] : memref<2x128xi32, #tpu.memory_space<vmem>> -> memref<1x128xi32, #tpu.memory_space<vmem>>
        %dma_start3A_246 = tpu.memref_squeeze %dma_start3A_245 : memref<1x128xi32, #tpu.memory_space<vmem>> -> memref<128xi32, #tpu.memory_space<vmem>>
        %dma_start3A_247 = arith.constant 0 : i32
        %dma_start3A_248 = arith.constant 0 : i32
        %dma_start3A_249 = tpu.memref_slice %arg11[%dma_start3A_247, %dma_start3A_248] : memref<10240x64xf32, #tpu.memory_space<vmem_shared>> -> memref<10240x64xf32, #tpu.memory_space<vmem_shared>>
        tpu.enqueue_indirect_dma source(%dma_start3A_243 : memref<128x64xf32, #tpu.memory_space<vmem>>) target(%dma_start3A_249 : memref<10240x64xf32, #tpu.memory_space<vmem_shared>>) offsets(%dma_start3A_246 : memref<128xi32, #tpu.memory_space<vmem>>) semaphore(%run_scoped3A_239 : memref<!tpu.dma_semaphore, #tpu.memory_space<semaphore_mem>>) {add = true}
        %dma_wait3A_250 = arith.constant 0 : i32
        %dma_wait3A_251 = arith.constant 0 : i32
        %dma_wait3A_252 = tpu.memref_slice %arg9[%run_scoped3A_229, %dma_wait3A_250, %dma_wait3A_251] : memref<2x128x64xf32, #tpu.memory_space<vmem>> -> memref<1x128x64xf32, #tpu.memory_space<vmem>>
        %dma_wait3A_253 = tpu.memref_squeeze %dma_wait3A_252 : memref<1x128x64xf32, #tpu.memory_space<vmem>> -> memref<128x64xf32, #tpu.memory_space<vmem>>
        %dma_wait3A_254 = arith.constant 0 : i32
        %dma_wait3A_255 = tpu.memref_slice %arg8[%run_scoped3A_230, %dma_wait3A_254] : memref<2x128xi32, #tpu.memory_space<vmem>> -> memref<1x128xi32, #tpu.memory_space<vmem>>
        %dma_wait3A_256 = tpu.memref_squeeze %dma_wait3A_255 : memref<1x128xi32, #tpu.memory_space<vmem>> -> memref<128xi32, #tpu.memory_space<vmem>>
        %dma_wait3A_257 = arith.constant 0 : i32
        %dma_wait3A_258 = arith.constant 0 : i32
        %dma_wait3A_259 = tpu.memref_slice %arg11[%dma_wait3A_257, %dma_wait3A_258] : memref<10240x64xf32, #tpu.memory_space<vmem_shared>> -> memref<10240x64xf32, #tpu.memory_space<vmem_shared>>
        tpu.wait_indirect_dma semaphore(%run_scoped3A_239 : memref<!tpu.dma_semaphore, #tpu.memory_space<semaphore_mem>>) src(%dma_wait3A_253 : memref<128x64xf32, #tpu.memory_space<vmem>>) dst(%dma_wait3A_259 : memref<10240x64xf32, #tpu.memory_space<vmem_shared>>)
        tpu.yield
      }) : () -> ()
      %add3A_231 = arith.constant 2 : i32
      %add3A_232 = arith.addi %add3A_187, %add3A_231 : i32
      %lt3A_233 = arith.constant 160 : i32
      %lt3A_234 = arith.cmpi slt, %add3A_232, %lt3A_233 : i32
      %convert_element_type3A_235 = arith.extui %lt3A_234 : i1 to i32
      %cond3A_236 = arith.constant 0 : i32
      %cond3A_237 = arith.cmpi ne, %convert_element_type3A_235, %cond3A_236 : i32
      scf.if %cond3A_237 {
        %add3A_239 = arith.constant 2 : i32
        %add3A_240 = arith.addi %add3A_187, %add3A_239 : i32
        %dma_start3A_241 = arith.constant 1 : i32
        %dma_start3A_242 = arith.constant 0 : i32
        %dma_start3A_243 = tpu.memref_slice %arg8[%dma_start3A_241, %dma_start3A_242] : memref<2x128xi32, #tpu.memory_space<vmem>> -> memref<1x128xi32, #tpu.memory_space<vmem>>
        %dma_start3A_244 = tpu.memref_squeeze %dma_start3A_243 : memref<1x128xi32, #tpu.memory_space<vmem>> -> memref<128xi32, #tpu.memory_space<vmem>>
        %dma_start3A_245 = arith.constant 0 : i32
        %dma_start3A_246 = tpu.memref_slice %arg5[%arg1, %add3A_240, %dma_start3A_245] : memref<16x160x128xi32, #tpu.memory_space<hbm>> -> memref<1x1x128xi32, #tpu.memory_space<hbm>>
        %dma_start3A_247 = tpu.memref_squeeze %dma_start3A_246 : memref<1x1x128xi32, #tpu.memory_space<hbm>> -> memref<128xi32, #tpu.memory_space<hbm>>
        %dma_start3A_248 = arith.constant 0 : i32
        %dma_start3A_249 = tpu.memref_slice %arg8[%dma_start3A_241, %dma_start3A_248] : memref<2x128xi32, #tpu.memory_space<vmem>> -> memref<1x128xi32, #tpu.memory_space<vmem>>
        %dma_start3A_250 = tpu.memref_squeeze %dma_start3A_249 : memref<1x128xi32, #tpu.memory_space<vmem>> -> memref<128xi32, #tpu.memory_space<vmem>>
        %dma_start3A_251 = arith.constant 0 : i32
        %dma_start3A_252 = tpu.memref_slice %arg5[%arg1, %add3A_240, %dma_start3A_251] : memref<16x160x128xi32, #tpu.memory_space<hbm>> -> memref<1x1x128xi32, #tpu.memory_space<hbm>>
        %dma_start3A_253 = tpu.memref_squeeze %dma_start3A_252 : memref<1x1x128xi32, #tpu.memory_space<hbm>> -> memref<128xi32, #tpu.memory_space<hbm>>
        tpu.enqueue_dma source(%dma_start3A_253 : memref<128xi32, #tpu.memory_space<hbm>>) target(%dma_start3A_250 : memref<128xi32, #tpu.memory_space<vmem>>) target_semaphore(%arg13 : memref<!tpu.dma_semaphore, #tpu.memory_space<semaphore_mem>>)
      } else {
      }
      %scan3A_238 = arith.constant 0 : i32
      scf.yield %scan3A_238 : i32
    }
    %scan3A_123 = arith.constant 80 : i32
    %barrier3A_124 = arith.constant 0 : index
    tpu.barrier barrier_id(%barrier3A_124)
    %mul3A_125 = arith.constant 640 : i32
    %mul3A_126 = arith.muli %arg1, %mul3A_125 : i32
    %mul3A_127 = arith.constant 640 : i32
    %mul3A_128 = arith.muli %arg1, %mul3A_127 : i32
    "tpu.region"() ({
      %run_scoped3A_129 = tpu.sem_alloc : memref<!tpu.dma_semaphore, #tpu.memory_space<semaphore_mem>>
      %dma_start3A_130 = arith.constant 0 : i32
      %dma_start3A_131 = tpu.memref_slice %arg6[%arg0, %mul3A_128, %dma_start3A_130] : memref<2x10240x64xf32, #tpu.memory_space<hbm>> -> memref<1x640x64xf32, #tpu.memory_space<hbm>>
      %dma_start3A_132 = tpu.memref_squeeze %dma_start3A_131 : memref<1x640x64xf32, #tpu.memory_space<hbm>> -> memref<640x64xf32, #tpu.memory_space<hbm>>
      %dma_start3A_133 = arith.constant 0 : i32
      %dma_start3A_134 = tpu.memref_slice %arg11[%mul3A_126, %dma_start3A_133] : memref<10240x64xf32, #tpu.memory_space<vmem_shared>> -> memref<640x64xf32, #tpu.memory_space<vmem_shared>>
      tpu.enqueue_dma source(%dma_start3A_134 : memref<640x64xf32, #tpu.memory_space<vmem_shared>>) target(%dma_start3A_132 : memref<640x64xf32, #tpu.memory_space<hbm>>) target_semaphore(%run_scoped3A_129 : memref<!tpu.dma_semaphore, #tpu.memory_space<semaphore_mem>>)
      %dma_wait3A_135 = arith.constant 0 : i32
      %dma_wait3A_136 = tpu.memref_slice %arg6[%arg0, %mul3A_128, %dma_wait3A_135] : memref<2x10240x64xf32, #tpu.memory_space<hbm>> -> memref<1x640x64xf32, #tpu.memory_space<hbm>>
      %dma_wait3A_137 = tpu.memref_squeeze %dma_wait3A_136 : memref<1x640x64xf32, #tpu.memory_space<hbm>> -> memref<640x64xf32, #tpu.memory_space<hbm>>
      %dma_wait3A_138 = arith.constant 0 : i32
      %dma_wait3A_139 = tpu.memref_slice %arg11[%mul3A_126, %dma_wait3A_138] : memref<10240x64xf32, #tpu.memory_space<vmem_shared>> -> memref<640x64xf32, #tpu.memory_space<vmem_shared>>
      tpu.wait_dma2 semaphore(%run_scoped3A_129 : memref<!tpu.dma_semaphore, #tpu.memory_space<semaphore_mem>>) src(%dma_wait3A_139 : memref<640x64xf32, #tpu.memory_space<vmem_shared>>) dst(%dma_wait3A_137 : memref<640x64xf32, #tpu.memory_space<hbm>>)
      tpu.yield
    }) : () -> ()
    return
  }
}

module attributes {stable_mosaic.version = 14 : i64} {
  func.func @_mm_scale_body(%arg0: i32, %arg1: memref<1024x128xf32, #tpu.memory_space<vmem>>, %arg2: memref<128x128xf32, #tpu.memory_space<vmem>>, %arg3: memref<2x1024xf32, #tpu.memory_space<vmem>>, %arg4: memref<2x1024x64xf32, #tpu.memory_space<vmem>>) attributes {dimension_semantics = [#tpu.dimension_semantics<arbitrary>], iteration_bounds = array<i64: 10>, scalar_prefetch = 0 : i64, scratch_operands = 0 : i64, tpu.core_type = #tpu.core_type<tc>, window_params = [{transform_indices = @transform_0, window_bounds = array<i64: 1024, 128>}, {pipeline_mode = #tpu.pipeline_mode<synchronous>, transform_indices = @transform_1, window_bounds = array<i64: 128, 128>}, {transform_indices = @transform_2, window_bounds = array<i64: 2, 1024>}, {transform_indices = @transform_3, window_bounds = array<i64: 2, 1024, 64>}]} {
    %get3A = arith.constant 0 : index
    %get3A_0 = arith.constant 0 : index
    %get3A_1 = vector.load %arg1[%get3A, %get3A_0] : memref<1024x128xf32, #tpu.memory_space<vmem>>, vector<1024x128xf32>
    %get3A_2 = arith.constant 0 : index
    %get3A_3 = arith.constant 0 : index
    %get3A_4 = vector.load %arg2[%get3A_2, %get3A_3] : memref<128x128xf32, #tpu.memory_space<vmem>>, vector<128x128xf32>
    %dot_general3A = arith.constant dense<0.000000e+00> : vector<1024x128xf32>
    %dot_general3A_5 = tpu.matmul %get3A_1, %get3A_4, %dot_general3A {dimension_numbers = #tpu.dot_dimension_numbers<[1], [0], [0], [1], [0, 0, 1, 1], [], []>, transpose_lhs_hint = false} : vector<1024x128xf32>, vector<128x128xf32>, vector<1024x128xf32> -> vector<1024x128xf32>
    %get3A_6 = arith.constant 0 : index
    %get3A_7 = arith.constant 0 : index
    %get3A_8 = vector.load %arg3[%get3A_6, %get3A_7] : memref<2x1024xf32, #tpu.memory_space<vmem>>, vector<1x1024xf32>
    %get3A_9 = vector.shape_cast %get3A_8 : vector<1x1024xf32> to vector<1024xf32>
    %get3A_10 = arith.constant 1 : index
    %get3A_11 = arith.constant 0 : index
    %get3A_12 = vector.load %arg3[%get3A_10, %get3A_11] : memref<2x1024xf32, #tpu.memory_space<vmem>>, vector<1x1024xf32>
    %get3A_13 = vector.shape_cast %get3A_12 : vector<1x1024xf32> to vector<1024xf32>
    %add3A = arith.addf %get3A_9, %get3A_13 : vector<1024xf32>
    %add3A_14 = arith.constant 1.000000e+00 : f32
    %add3A_15 = vector.broadcast %add3A_14 : f32 to vector<1024xf32>
    %add3A_16 = arith.addf %add3A, %add3A_15 : vector<1024xf32>
    %rsqrt3A = math.rsqrt %add3A_16 : vector<1024xf32>
    %broadcast_in_dim3A = vector.shape_cast %rsqrt3A : vector<1024xf32> to vector<1024x1xf32>
    %mul3A = vector.broadcast %broadcast_in_dim3A : vector<1024x1xf32> to vector<1024x128xf32>
    %mul3A_17 = arith.mulf %dot_general3A_5, %mul3A : vector<1024x128xf32>
    %slice3A = vector.extract_strided_slice %mul3A_17 {offsets = [0, 0], sizes = [1024, 64], strides = [1, 1]} : vector<1024x128xf32> to vector<1024x64xf32>
    %swap3A = arith.constant 0 : index
    %swap3A_18 = arith.constant 0 : index
    %swap3A_19 = arith.constant 0 : index
    %swap3A_20 = vector.load %arg4[%swap3A, %swap3A_18, %swap3A_19] : memref<2x1024x64xf32, #tpu.memory_space<vmem>>, vector<1x1024x64xf32>
    %swap3A_21 = vector.shape_cast %swap3A_20 : vector<1x1024x64xf32> to vector<1024x64xf32>
    %swap3A_22 = vector.shape_cast %slice3A : vector<1024x64xf32> to vector<1x1024x64xf32>
    tpu.vector_store %arg4[%swap3A, %swap3A_18, %swap3A_19], %swap3A_22 {strides = array<i32>} : memref<2x1024x64xf32, #tpu.memory_space<vmem>>, vector<1x1024x64xf32>,
    %slice3A_23 = vector.extract_strided_slice %mul3A_17 {offsets = [0, 64], sizes = [1024, 64], strides = [1, 1]} : vector<1024x128xf32> to vector<1024x64xf32>
    %swap3A_24 = arith.constant 1 : index
    %swap3A_25 = arith.constant 0 : index
    %swap3A_26 = arith.constant 0 : index
    %swap3A_27 = vector.load %arg4[%swap3A_24, %swap3A_25, %swap3A_26] : memref<2x1024x64xf32, #tpu.memory_space<vmem>>, vector<1x1024x64xf32>
    %swap3A_28 = vector.shape_cast %swap3A_27 : vector<1x1024x64xf32> to vector<1024x64xf32>
    %swap3A_29 = vector.shape_cast %slice3A_23 : vector<1024x64xf32> to vector<1x1024x64xf32>
    tpu.vector_store %arg4[%swap3A_24, %swap3A_25, %swap3A_26], %swap3A_29 {strides = array<i32>} : memref<2x1024x64xf32, #tpu.memory_space<vmem>>, vector<1x1024x64xf32>,
    return
  }
  func.func @transform_0(%arg0: i32) -> (i32, i32) {
    %c0_i32 = arith.constant 0 : i32
    %c0_i32_0 = arith.constant 0 : i32
    return %arg0, %c0_i32 : i32, i32
  }
  func.func @transform_1(%arg0: i32) -> (i32, i32) {
    %c0_i32 = arith.constant 0 : i32
    %c0_i32_0 = arith.constant 0 : i32
    %c0_i32_1 = arith.constant 0 : i32
    return %c0_i32, %c0_i32_0 : i32, i32
  }
  func.func @transform_2(%arg0: i32) -> (i32, i32) {
    %c0_i32 = arith.constant 0 : i32
    %c0_i32_0 = arith.constant 0 : i32
    return %c0_i32, %arg0 : i32, i32
  }
  func.func @transform_3(%arg0: i32) -> (i32, i32, i32) {
    %c0_i32 = arith.constant 0 : i32
    %c0_i32_0 = arith.constant 0 : i32
    %c0_i32_1 = arith.constant 0 : i32
    return %c0_i32, %arg0, %c0_i32_0 : i32, i32, i32
  }
}

module attributes {stable_mosaic.version = 14 : i64} {
  func.func @_epi_body(%arg0: i32, %arg1: memref<2x1024x64xf32, #tpu.memory_space<vmem>>, %arg2: memref<2x1024x64xf32, #tpu.memory_space<vmem>>, %arg3: memref<2x1024xf32, #tpu.memory_space<vmem>>, %arg4: memref<1x128xf32, #tpu.memory_space<vmem>>, %arg5: memref<1x128xf32, #tpu.memory_space<vmem>>, %arg6: memref<1x1xf32, #tpu.memory_space<vmem>>, %arg7: memref<1024x1xf32, #tpu.memory_space<vmem>>) attributes {dimension_semantics = [#tpu.dimension_semantics<arbitrary>], iteration_bounds = array<i64: 10>, scalar_prefetch = 0 : i64, scratch_operands = 0 : i64, tpu.core_type = #tpu.core_type<tc>, window_params = [{transform_indices = @transform_0, window_bounds = array<i64: 2, 1024, 64>}, {transform_indices = @transform_1, window_bounds = array<i64: 2, 1024, 64>}, {transform_indices = @transform_2, window_bounds = array<i64: 2, 1024>}, {pipeline_mode = #tpu.pipeline_mode<synchronous>, transform_indices = @transform_3, window_bounds = array<i64: 1, 128>}, {pipeline_mode = #tpu.pipeline_mode<synchronous>, transform_indices = @transform_4, window_bounds = array<i64: 1, 128>}, {pipeline_mode = #tpu.pipeline_mode<synchronous>, transform_indices = @transform_5, window_bounds = array<i64: 1, 1>}, {transform_indices = @transform_6, window_bounds = array<i64: 1024, 1>}]} {
    %get3A = arith.constant 0 : index
    %get3A_0 = arith.constant 0 : index
    %get3A_1 = vector.load %arg3[%get3A, %get3A_0] : memref<2x1024xf32, #tpu.memory_space<vmem>>, vector<1x1024xf32>
    %get3A_2 = vector.shape_cast %get3A_1 : vector<1x1024xf32> to vector<1024xf32>
    %get3A_3 = arith.constant 1 : index
    %get3A_4 = arith.constant 0 : index
    %get3A_5 = vector.load %arg3[%get3A_3, %get3A_4] : memref<2x1024xf32, #tpu.memory_space<vmem>>, vector<1x1024xf32>
    %get3A_6 = vector.shape_cast %get3A_5 : vector<1x1024xf32> to vector<1024xf32>
    %add3A = arith.addf %get3A_2, %get3A_6 : vector<1024xf32>
    %add3A_7 = arith.constant 1.000000e+00 : f32
    %add3A_8 = vector.broadcast %add3A_7 : f32 to vector<1024xf32>
    %add3A_9 = arith.addf %add3A, %add3A_8 : vector<1024xf32>
    %rsqrt3A = math.rsqrt %add3A_9 : vector<1024xf32>
    %get3A_10 = arith.constant 0 : index
    %get3A_11 = arith.constant 0 : index
    %get3A_12 = arith.constant 0 : index
    %get3A_13 = vector.load %arg1[%get3A_10, %get3A_11, %get3A_12] : memref<2x1024x64xf32, #tpu.memory_space<vmem>>, vector<1x1024x64xf32>
    %get3A_14 = vector.shape_cast %get3A_13 : vector<1x1024x64xf32> to vector<1024x64xf32>
    %get3A_15 = arith.constant 1 : index
    %get3A_16 = arith.constant 0 : index
    %get3A_17 = arith.constant 0 : index
    %get3A_18 = vector.load %arg1[%get3A_15, %get3A_16, %get3A_17] : memref<2x1024x64xf32, #tpu.memory_space<vmem>>, vector<1x1024x64xf32>
    %get3A_19 = vector.shape_cast %get3A_18 : vector<1x1024x64xf32> to vector<1024x64xf32>
    %concatenate3A = tpu.concatenate %get3A_14, %get3A_19 in 1 : vector<1024x64xf32>, vector<1024x64xf32> -> vector<1024x128xf32>
    %get3A_20 = arith.constant 0 : index
    %get3A_21 = arith.constant 0 : index
    %get3A_22 = arith.constant 0 : index
    %get3A_23 = vector.load %arg2[%get3A_20, %get3A_21, %get3A_22] : memref<2x1024x64xf32, #tpu.memory_space<vmem>>, vector<1x1024x64xf32>
    %get3A_24 = vector.shape_cast %get3A_23 : vector<1x1024x64xf32> to vector<1024x64xf32>
    %get3A_25 = arith.constant 1 : index
    %get3A_26 = arith.constant 0 : index
    %get3A_27 = arith.constant 0 : index
    %get3A_28 = vector.load %arg2[%get3A_25, %get3A_26, %get3A_27] : memref<2x1024x64xf32, #tpu.memory_space<vmem>>, vector<1x1024x64xf32>
    %get3A_29 = vector.shape_cast %get3A_28 : vector<1x1024x64xf32> to vector<1024x64xf32>
    %concatenate3A_30 = tpu.concatenate %get3A_24, %get3A_29 in 1 : vector<1024x64xf32>, vector<1024x64xf32> -> vector<1024x128xf32>
    %broadcast_in_dim3A = vector.shape_cast %rsqrt3A : vector<1024xf32> to vector<1024x1xf32>
    %add3A_31 = arith.addf %concatenate3A, %concatenate3A_30 : vector<1024x128xf32>
    %mul3A = vector.broadcast %broadcast_in_dim3A : vector<1024x1xf32> to vector<1024x128xf32>
    %mul3A_32 = arith.mulf %mul3A, %add3A_31 : vector<1024x128xf32>
    %get3A_33 = arith.constant 0 : index
    %get3A_34 = arith.constant 0 : index
    %get3A_35 = vector.load %arg4[%get3A_33, %get3A_34] : memref<1x128xf32, #tpu.memory_space<vmem>>, vector<1x128xf32>
    %add3A_36 = vector.broadcast %get3A_35 : vector<1x128xf32> to vector<1024x128xf32>
    %add3A_37 = arith.addf %mul3A_32, %add3A_36 : vector<1024x128xf32>
    %max3A = arith.constant 0.000000e+00 : f32
    %max3A_38 = vector.broadcast %max3A : f32 to vector<1024x128xf32>
    %max3A_39 = arith.maximumf %add3A_37, %max3A_38 : vector<1024x128xf32>
    %get3A_40 = arith.constant 0 : index
    %get3A_41 = arith.constant 0 : index
    %get3A_42 = vector.load %arg5[%get3A_40, %get3A_41] : memref<1x128xf32, #tpu.memory_space<vmem>>, vector<1x128xf32>
    %mul3A_43 = vector.broadcast %get3A_42 : vector<1x128xf32> to vector<1024x128xf32>
    %mul3A_44 = arith.mulf %max3A_39, %mul3A_43 : vector<1024x128xf32>
    %reduce_sum3A = arith.constant dense<0.000000e+00> : vector<1024xf32>
    %reduce_sum3A_45 = vector.multi_reduction <add>, %mul3A_44, %reduce_sum3A [1] : vector<1024x128xf32> to vector<1024xf32>
    %broadcast_in_dim3A_46 = vector.shape_cast %reduce_sum3A_45 : vector<1024xf32> to vector<1024x1xf32>
    %get3A_47 = arith.constant 0 : index
    %get3A_48 = arith.constant 0 : index
    %get3A_49 = vector.load %arg6[%get3A_47, %get3A_48] : memref<1x1xf32, #tpu.memory_space<vmem>>, vector<1x1xf32>
    %add3A_50 = vector.broadcast %get3A_49 : vector<1x1xf32> to vector<1024x1xf32>
    %add3A_51 = arith.addf %broadcast_in_dim3A_46, %add3A_50 : vector<1024x1xf32>
    %logistic3A = arith.negf %add3A_51 : vector<1024x1xf32>
    %logistic3A_52 = math.exp %logistic3A : vector<1024x1xf32>
    %logistic3A_53 = arith.constant 1.000000e+00 : f32
    %logistic3A_54 = vector.broadcast %logistic3A_53 : f32 to vector<1024x1xf32>
    %logistic3A_55 = arith.addf %logistic3A_54, %logistic3A_52 : vector<1024x1xf32>
    %logistic3A_56 = arith.divf %logistic3A_54, %logistic3A_55 : vector<1024x1xf32>
    %swap3A = arith.constant 0 : index
    %swap3A_57 = arith.constant 0 : index
    %swap3A_58 = vector.load %arg7[%swap3A, %swap3A_57] : memref<1024x1xf32, #tpu.memory_space<vmem>>, vector<1024x1xf32>
    tpu.vector_store %arg7[%swap3A, %swap3A_57], %logistic3A_56 {strides = array<i32>} : memref<1024x1xf32, #tpu.memory_space<vmem>>, vector<1024x1xf32>,
    return
  }
  func.func @transform_0(%arg0: i32) -> (i32, i32, i32) {
    %c0_i32 = arith.constant 0 : i32
    %c0_i32_0 = arith.constant 0 : i32
    %c0_i32_1 = arith.constant 0 : i32
    return %c0_i32, %arg0, %c0_i32_0 : i32, i32, i32
  }
  func.func @transform_1(%arg0: i32) -> (i32, i32, i32) {
    %c0_i32 = arith.constant 0 : i32
    %c0_i32_0 = arith.constant 0 : i32
    %c0_i32_1 = arith.constant 0 : i32
    return %c0_i32, %arg0, %c0_i32_0 : i32, i32, i32
  }
  func.func @transform_2(%arg0: i32) -> (i32, i32) {
    %c0_i32 = arith.constant 0 : i32
    %c0_i32_0 = arith.constant 0 : i32
    return %c0_i32, %arg0 : i32, i32
  }
  func.func @transform_3(%arg0: i32) -> (i32, i32) {
    %c0_i32 = arith.constant 0 : i32
    %c0_i32_0 = arith.constant 0 : i32
    %c0_i32_1 = arith.constant 0 : i32
    return %c0_i32, %c0_i32_0 : i32, i32
  }
  func.func @transform_4(%arg0: i32) -> (i32, i32) {
    %c0_i32 = arith.constant 0 : i32
    %c0_i32_0 = arith.constant 0 : i32
    %c0_i32_1 = arith.constant 0 : i32
    return %c0_i32, %c0_i32_0 : i32, i32
  }
  func.func @transform_5(%arg0: i32) -> (i32, i32) {
    %c0_i32 = arith.constant 0 : i32
    %c0_i32_0 = arith.constant 0 : i32
    %c0_i32_1 = arith.constant 0 : i32
    return %c0_i32, %c0_i32_0 : i32, i32
  }
  func.func @transform_6(%arg0: i32) -> (i32, i32) {
    %c0_i32 = arith.constant 0 : i32
    %c0_i32_0 = arith.constant 0 : i32
    return %arg0, %c0_i32 : i32, i32
  }
}

</mosaic_0001>

<sc_bundles>
// kernel: kernel.6.cloned.1.call-start
scs
__scs_entry_jumppad:
0x0: {  	(pc) =	sbr.rel $0x88, $3  }
0x1: {  	(tag) =	ssettag $0x0;
	lr =	simm.s32 $0x1  }
0x2: {  	[smem:$0x3F9B] =	sst lr;
	_ =	strace $0xD0000000  }
0x3: {  	_ = 	snop  }
0x4: {  	_ = 	snop  }
0x5: {  	_ = 	snop  }
0x6: {  	_ = 	snop  }
0x7: {  	_ = 	snop  }
__scs_overlays_trampoline_lowered:
0x8: {  	[smem:$0x3FAA] =	sst s0  }
0x9: {  	[smem:$0x3FAB] =	sst s1  }
0xa: {  	[smem:$0x3FAC] =	sst s2  }
0xb: {  	[smem:$0x3FAD] =	sst s3  }
0xc: {  	[smem:$0x3FAE] =	sst s4  }
0xd: {  	[smem:$0x3FAF] =	sst s5  }
0xe: {  	[smem:$0x3FB0] =	sst s6  }
0xf: {  	[smem:$0x3FB1] =	sst s7  }
0x10: {  	[smem:$0x3FB2] =	sst s8  }
0x11: {  	[smem:$0x3FB3] =	sst s9;
	s0 =	simm.s32 @!p0 $0x0  }
0x12: {  	s1 =	sld [smem:$0x3F99];
	s0 =	simm.s32 @p0 $0x1  }
0x13: {  	[smem:$0x3FB4] =	sst s0;
	s0 =	simm.s32 @!p1 $0x0  }
0x14: {  	s2 =	sld [smem:$0x3F98];
	s0 =	simm.s32 @p1 $0x1  }
0x15: {  	[smem:$0x3FB5] =	sst s0;
	s0 =	simm.s32 @!p2 $0x0  }
0x16: {  	s3 =	sld [smem:$0x3FDB];
	s0 =	simm.s32 @p2 $0x1  }
0x17: {  	s4 =	simm.s32 $0x1BF5;
	[smem:$0x3FB7] =	sst s0  }
0x18: {  	s0 =	sld [smem:$0x3F9A];
	_ =	swait.ge [sflag:s4], $0x0  }
0x19: {  	s7 =	sld [smem:$0x3F9B]  }
0x1a: {  	s8 =	sadd.s32 $0xFFFFE003, lr  }
0x1b: {  	s9 =	sadd.s32 $0xFFFFFEF7, lr;
	s5 =	simm.s32 $0xFFFFFFFF;
	p2 =	slt.u32 s8, $0xFFFFF086  }
0x1c: {  	p1 =	slt.u32 s9, $0xF7A;
	s5 =	simm.s32 @!p2 $0x0  }
0x1d: {  	s5 =	simm.s32 @p1 $0x1;
	p0 =	seq.s32 s7, s2  }
0x1e: {  	s7 =	smul.u32 @!p0 $0xF7A, s2;
	p2 =	seq.s32 @!p0 s5, $0x0  }
0x1f: {  	s9 =	smul.u32 $0xF7A, s1;
	s8 =	simm.s32 @!p0 $0x1BF5;
	p2 =	por !p2, p0  }
0x20: {  	[sflag:s8] =	ssyncset.s32 @!p0 $0xFFFFF086;
	s6 =	sadd.s32 @!p0 s3, s7;
	s7 =	simm.s32 @!p0 $0x108  }
0x21: {  	s3 =	sadd.s32 s3, s9;
	s6 =	sadd.s32 @!p0 $0x88, s6;
	s7 =	simm.s32 @p2 $0x1082  }
0x22: {  	[simem:s7], [sflag:s8] =	dma.local @!p0 [hbm:s6], $0xF7A  }
0x23: {  	s9 =	sor.u32 $0xD0000000, s2;
	s6 =	simm.s32 $0x108;
	_ =	swait.ge @!p0 [sflag:s8], $0x0  }
0x24: {  	s3 =	sadd.s32 $0x88, s3;
	s6 =	simm.s32 @!p1 $0x1082;
	[sflag:s4] =	ssyncset.s32 $0xFFFFF086  }
0x25: {  	[simem:s6], [sflag:s4] =	dma.local [hbm:s3], $0xF7A  }
0x26: {  	[smem:$0x3F9B] =	sst s1;
	(tag) =	ssettag s2;
	_ =	strace s9  }
0x27: {  	s1 =	sld [smem:$0x3FAB]  }
0x28: {  	s2 =	sld [smem:$0x3FAC]  }
0x29: {  	s4 =	sld [smem:$0x3FAE]  }
0x2a: {  	p0 =	seq.s32 s5, $0x0;
	s5 =	sld [smem:$0x3FAF]  }
0x2b: {  	s6 =	sld [smem:$0x3FB0]  }
0x2c: {  	s7 =	sld [smem:$0x3FB1]  }
0x2d: {  	s3 =	simm.s32 $0x108;
	s8 =	sld [smem:$0x3FB2]  }
0x2e: {  	s3 =	simm.s32 @!p0 $0x1082;
	s9 =	sld [smem:$0x3FB3]  }
0x2f: {  	lr =	sadd.s32 s0, s3;
	s0 =	sld [smem:$0x3FAA]  }
0x30: {  	s3 =	sld [smem:$0x3FAD]  }
0x31: {  	[smem:$0x3FB6] =	sst s10  }
0x32: {  	s10 =	sld [smem:$0x3FB4];
	_ =	sdelay $0x3  }
0x33: {  	p0 =	seq.s32 s10, $0x1;
	s10 =	sld [smem:$0x3FB6];
	_ =	sdelay $0x3  }
0x34: {  	[smem:$0x3FB6] =	sst s10  }
0x35: {  	s10 =	sld [smem:$0x3FB5];
	_ =	sdelay $0x3  }
0x36: {  	p1 =	seq.s32 s10, $0x1;
	s10 =	sld [smem:$0x3FB6];
	_ =	sdelay $0x3  }
0x37: {  	[smem:$0x3FB6] =	sst s10  }
0x38: {  	s10 =	sld [smem:$0x3FB7]  }
0x39: {  	_ = 	snop;
	(pc) =	sbr.ind lr, $3  }
0x3a: {  	_ = 	snop  }
0x3b: {  	_ = 	snop  }
0x3c: {  	p2 =	seq.s32 s10, $0x1;
	s10 =	sld [smem:$0x3FB6]  }
0x3d: {  	_ =	shalt  }
0x3e: {  	_ =	shalt  }
0x3f: {  	_ =	shalt  }
0x40: {  	_ =	shalt  }
0x41: {  	_ =	shalt  }
0x42: {  	_ =	shalt  }
0x43: {  	_ =	shalt  }
0x44: {  	_ =	shalt  }
0x45: {  	_ =	shalt  }
0x46: {  	_ =	shalt  }
0x47: {  	_ =	shalt  }
0x48: {  	_ =	shalt  }
0x49: {  	_ =	shalt  }
0x4a: {  	_ =	shalt  }
0x4b: {  	_ =	shalt  }
0x4c: {  	_ =	shalt  }
0x4d: {  	_ =	shalt  }
0x4e: {  	_ =	shalt  }
0x4f: {  	_ =	shalt  }
0x50: {  	_ =	shalt  }
0x51: {  	_ =	shalt  }
0x52: {  	_ =	shalt  }
0x53: {  	_ =	shalt  }
0x54: {  	_ =	shalt  }
0x55: {  	_ =	shalt  }
0x56: {  	_ =	shalt  }
0x57: {  	_ =	shalt  }
0x58: {  	_ =	shalt  }
0x59: {  	_ =	shalt  }
0x5a: {  	_ =	shalt  }
0x5b: {  	_ =	shalt  }
0x5c: {  	_ =	shalt  }
0x5d: {  	_ =	shalt  }
0x5e: {  	_ =	shalt  }
0x5f: {  	_ =	shalt  }
0x60: {  	_ =	shalt  }
0x61: {  	_ =	shalt  }
0x62: {  	_ =	shalt  }
0x63: {  	_ =	shalt  }
0x64: {  	_ =	shalt  }
0x65: {  	_ =	shalt  }
0x66: {  	_ =	shalt  }
0x67: {  	_ =	shalt  }
0x68: {  	_ =	shalt  }
0x69: {  	_ =	shalt  }
0x6a: {  	_ =	shalt  }
0x6b: {  	_ =	shalt  }
0x6c: {  	_ =	shalt  }
0x6d: {  	_ =	shalt  }
0x6e: {  	_ =	shalt  }
0x6f: {  	_ =	shalt  }
0x70: {  	_ =	shalt  }
0x71: {  	_ =	shalt  }
0x72: {  	_ =	shalt  }
0x73: {  	_ =	shalt  }
0x74: {  	_ =	shalt  }
0x75: {  	_ =	shalt  }
0x76: {  	_ =	shalt  }
0x77: {  	_ =	shalt  }
0x78: {  	_ =	shalt  }
0x79: {  	_ =	shalt  }
0x7a: {  	_ =	shalt  }
0x7b: {  	_ =	shalt  }
0x7c: {  	_ =	shalt  }
0x7d: {  	_ =	shalt  }
0x7e: {  	_ =	shalt  }
0x7f: {  	_ =	shalt  }
0x80: {  	_ =	shalt  }
0x81: {  	_ =	shalt  }
0x82: {  	_ =	shalt  }
0x83: {  	_ =	shalt  }
0x84: {  	_ =	shalt  }
0x85: {  	_ =	shalt  }
0x86: {  	_ =	shalt  }
0x87: {  	_ =	shalt  }
.Lfunc_end0:
.L_simem_size_0:
called_computation_lowered:
.L_overlay_start_0:
0x88: {  	s2 =	sld [smem:$0x3FD9]  }
0x89: {  	s3 =	sld [smem:$0x3FFE];
	_ =	sdelay $0x1  }
0x8a: {  	s1 =	srdreg.scid  }
0x8b: {  	s0 =	sand.u32 $0x1, s1  }
0x8c: {  	s16 =	sshll.u32 s0, $0xA;
	s2 =	sadd.s32 s3, s2  }
0x8d: {  	s2 =	sadd.s32 s2, s16  }
0x8e: {  	[smem:$0x3FC2] =	sst s2  }
0x8f: {  	_ = 	snop  }
0x90: {  	(tm) =	ssettm $0x1  }
0x91: {  	s17 =	sld [smem:$0x3FFB];
	_ =	sdelay $0x3  }
0x92: {  	_ =	strace s17  }
0x93: {  	s2 =	sld [smem:$0x3FFC];
	_ =	sdelay $0x3  }
0x94: {  	_ =	strace s2  }
0x95: {  	s2 =	sld [smem:$0x3FFD];
	_ =	sdelay $0x3  }
0x96: {  	_ =	strace s2  }
0x97: {  	_ =	strace $0x8FFFFFFF  }
0x98: {  	s18 =	sld [smem:$0x3FDB];
	_ =	sdelay $0x1  }
0x99: {  	s19 =	simm.s32 $_scs_section_size  }
0x9a: {  	s4 =	simm.s32 $_size__tile_overlayer_lowered;
	s5 =	simm.s32 $_tile_overlayer_lowered  }
0x9b: {  	s22 =	simm.s32 $0x1BFF;
	s21 =	sshll.u32 s5, $0x1;
	s2 =	sadd.s32 s19, s18  }
0x9c: {  	s6 =	simm.s32 $0x0;
	s20 =	sshll.u32 s4, $0x1;
	s4 =	sadd.s32 s21, s2  }
0x9d: {  	[timem:s6], [sflag:s22] =	dma.local [hbm:s4], s20  }
0x9e: {  	_ =	swait.ge [sflag:s22], s20  }
0x9f: {  	s3 =	ssub.s32 $0x0, s20;
	[sflag:s22] =	ssyncset.done $0x0  }
0xa0: {  	[sflag:s22] =	ssyncadd.s32 s3;
	_ =	sdelay $0x1  }
0xa1: {  	s23 =	simm.s32 $0x1B8B  }
0xa2: {  	_ =	swait.ge [sflag:s23], $0x1  }
0xa3: {  	[sflag:s23] =	ssyncset.done $0x0  }
0xa4: {  	s25 =	simm.s32 $0x1B8E;
	s24 =	sld [smem:$0x3FFE];
	[sflag:s23] =	ssyncadd.s32 $0xFFFFFFFF  }
0xa5: {  	s26 =	simm.s32 $execute0_lowered;
	[smem:$0x3FD2] =	sst s25  }
0xa6: {  	s4 =	sshll.u32 s26, $0x1;
	_ =	strace $0x80000046;
	[dreg:$0x1] =	wrdreg $0xFFFFFFFF  }
0xa7: {  	s28 =	simm.s32 $_size_execute0_lowered;
	s2 =	sadd.s32 s2, s4;
	[dreg:$0x0] =	wrdreg $0x0  }
0xa8: {  	s4 =	sshll.u32 s28, $0x1;
	[dreg:$0x2] =	wrdreg s2  }
0xa9: {  	[dreg:$0x3] =	wrdreg s4  }
0xaa: {  	[dreg:$0x4] =	wrdreg $0xC0  }
0xab: {  	_ =	task [dreg:s6], $0x5FFFF  }
0xac: {  	[dreg:$0x1] =	wrdreg $0xFFFFFFFF  }
0xad: {  	[dreg:$0x0] =	wrdreg $0x60  }
0xae: {  	[dreg:$0x2] =	wrdreg s24  }
0xaf: {  	[dreg:$0x3] =	wrdreg $0x2B000  }
0xb0: {  	[dreg:$0x4] =	wrdreg $0x9  }
0xb1: {  	_ =	task.clear_ibuf [dreg:s6], $0x5FFFF;
	_ =	strace $0x90000046  }
0xb2: {  	s29 =	simm.s32 $0x9;
	_ =	strace $0x80000048  }
0xb3: {  	_ =	swait.ge [sflag:s29], $0x1  }
0xb4: {  	[sflag:s29] =	ssyncadd.s32 $0xFFFFFFFF  }
0xb5: {  	_ =	strace $0x90000048  }
0xb6: {  	_ =	sfence  }
0xb7: {  	s30 =	sld [smem:$0x0];
	_ =	sdelay $0x2  }
0xb8: {  	s31 =	sshll.u32 s1, $0xD;
	s1 =	sshrl.u32 s1, $0x2  }
0xb9: {  	s3 =	sand.u32 $0x4000, s31;
	s1 =	sadd.s32 s1, s30  }
0xba: {  	s0 =	sor.u32 s3, s0;
	s1 =	sshll.u32 s1, $0x11  }
0xbb: {  	s0 =	sor.u32 s1, s0  }
0xbc: {  	s0 =	sadd.s32 $0x8F2B, s0  }
0xbd: {  	[sflag:s0] =	ssyncadd.remote.s32 $0x1  }
0xbe: {  	_ =	sfence.sel $0xFFFF  }
0xbf: {  	[dreg:$0x0] =	wrdreg $0xFFFFFFFF;
	(pc) =	sbr.abs _section_cstart, $3  }
0xc0: {  	[dreg:$0x1] =	wrdreg $0xFFFFFFFF  }
0xc1: {  	_ =	task.clear_ibuf [dreg:s6], $0x2FFFF;
	_ =	strace $0x9FFFFFFF  }
0xc2: {  	(tm) =	ssettm $0x7FFFFFFF  }
0xc3: {  	_ =	shalt  }
tec
execute0_lowered:
.L_overlay_start_1:
0x0: {  	(tag) =	ssettag $0x1  }
0x1: {  	s4 =	rddreg [dreg:$0x0]  }
0x2: {  	s0 =	srdreg.scid;
	s2 =	rddreg [dreg:$0x1]  }
0x3: {  	s1 =	rddreg [dreg:$0x2];
	s3 =	simm.s32 $0x0;
	s10 =	simm.s32 $0x80  }
0x4: {  	s11 =	simm.s32 $0x2800;
	s12 =	simm.s32 $0x1;
	s5 =	sand.u32 $0x1, s0  }
0x5: {  	s15 =	simm.s32 $0x20;
	s0 =	stileid.u32;
	s6 =	smul.u32 $0x28000, s5  }
0x6: {  	s16 =	simm.s32 $0x10;
	[smem:$0x7FF] =	sst s3;
	s7 =	smul.u32 $0x2800, s0  }
0x7: {  	s17 =	simm.s32 $0x0;
	s29 =	smul.u32 $0x500, s0;
	_ =	strace $0x80000047  }
0x8: {  	s8 =	sshll.u32 s5, $0x7;
	s5 =	ssub.s32 $0x2, s5;
	s13 =	sshll.u32 s0, $0x6  }
0x9: {  	s30 =	smul.u32 $0xA00, s0;
	s9 =	sshrl.u32 s5, $0x1;
	s13 =	sor.u32 $0x1C02, s13  }
0xa: {  	s6 =	sadd.s32 s7, s6;
	s7 =	sor.u32 s8, s29;
	s9 =	ssub.s32 s5, s9  }
0xb: {  	s31 =	sshrl.u32 s30, $0x2;
	s8 =	simm.s32 $0x2;
	s6 =	sshrl.u32 s6, $0x3  }
0xc: {  	s7 =	sshrl.u32 s7, $0x3;
	s5 =	sadd.s32 s31, s2;
	s6 =	sadd.s32 s6, s4  }
0xd: {  	s7 =	sadd.s32 s7, s4;
	s14 =	sshrl.u32 s5, $0x3;
	s4 =	sadd.s32 $0x1400, s6  }
0xe: {  	v0 =	vimm.f32 $0.0e+00;
	v1 =	vimm.f32 $1.000000000e+00;
	s6 =	sadd.s32 $0x15400, s7;
	s7 =	smax.u32 s9, $0x1;
	s9 =	simm.s32 $0x2880  }
.LBB2_1:
0xf: {  	[tilespmem:$0x2880] =	vst v0  }
0x10: {  	[tilespmem:$0x2890] =	vst v0  }
0x11: {  	[tilespmem:$0x28A0] =	vst v0  }
0x12: {  	[tilespmem:$0x28B0] =	vst v0  }
0x13: {  	[tilespmem:$0x28C0] =	vst v0  }
0x14: {  	[tilespmem:$0x28D0] =	vst v0  }
0x15: {  	[tilespmem:$0x28E0] =	vst v0  }
0x16: {  	[tilespmem:$0x28F0] =	vst v0  }
0x17: {  	[tilespmem:$0x2900] =	vst v0  }
0x18: {  	[tilespmem:$0x2910] =	vst v0  }
0x19: {  	[tilespmem:$0x2920] =	vst v0  }
0x1a: {  	[tilespmem:$0x2930] =	vst v0  }
0x1b: {  	[tilespmem:$0x2940] =	vst v0  }
0x1c: {  	[tilespmem:$0x2950] =	vst v0  }
0x1d: {  	[tilespmem:$0x2960] =	vst v0  }
0x1e: {  	[tilespmem:$0x2970] =	vst v0  }
0x1f: {  	[tilespmem:$0x2980] =	vst v0  }
0x20: {  	[tilespmem:$0x2990] =	vst v0  }
0x21: {  	[tilespmem:$0x29A0] =	vst v0  }
0x22: {  	[tilespmem:$0x29B0] =	vst v0  }
0x23: {  	[tilespmem:$0x29C0] =	vst v0  }
0x24: {  	[tilespmem:$0x29D0] =	vst v0  }
0x25: {  	[tilespmem:$0x29E0] =	vst v0  }
0x26: {  	[tilespmem:$0x29F0] =	vst v0  }
0x27: {  	[tilespmem:$0x2A00] =	vst v0  }
0x28: {  	[tilespmem:$0x2A10] =	vst v0  }
0x29: {  	[tilespmem:$0x2A20] =	vst v0  }
0x2a: {  	[tilespmem:$0x2A30] =	vst v0  }
0x2b: {  	[tilespmem:$0x2A40] =	vst v0  }
0x2c: {  	[tilespmem:$0x2A50] =	vst v0  }
0x2d: {  	[tilespmem:$0x2A60] =	vst v0  }
0x2e: {  	[tilespmem:$0x2A70] =	vst v0  }
0x2f: {  	[tilespmem:$0x2A80] =	vst v0  }
0x30: {  	[tilespmem:$0x2A90] =	vst v0  }
0x31: {  	[tilespmem:$0x2AA0] =	vst v0  }
0x32: {  	[tilespmem:$0x2AB0] =	vst v0  }
0x33: {  	[tilespmem:$0x2AC0] =	vst v0  }
0x34: {  	[tilespmem:$0x2AD0] =	vst v0  }
0x35: {  	[tilespmem:$0x2AE0] =	vst v0  }
0x36: {  	[tilespmem:$0x2AF0] =	vst v0  }
0x37: {  	[tilespmem:$0x2800] =	vst v1  }
0x38: {  	[tilespmem:$0x2810] =	vst v1  }
0x39: {  	[tilespmem:$0x2820] =	vst v1  }
0x3a: {  	[tilespmem:$0x2830] =	vst v1  }
0x3b: {  	[tilespmem:$0x2840] =	vst v1  }
0x3c: {  	[tilespmem:$0x2850] =	vst v1  }
0x3d: {  	[tilespmem:$0x2860] =	vst v1  }
0x3e: {  	[tilespmem:$0x2870] =	vst v1  }
0x3f: {  	[tilespmem:s3], [sflag:$0x2] =	stream.linear.gather [hbm4b:s4+s3], $0x2800, $0x38;
	[tilespmem:$0x2D80] =	vst v63  }
0x40: {  	_ =	swait.ge [sflag:s8], $0x2800  }
0x41: {  	[sflag:s8] =	ssyncset.done $0x0  }
0x42: {  	[sflag:s8] =	ssyncadd.s32 $0xFFFFD800  }
0x43: {  	[spmem:s5] =	stream.linear.scatter [tilespmem:s9], [sflag:$0x2], $0x280, $0x38;
	[tilespmem:$0x2D80] =	vst v63  }
0x44: {  	_ =	swait.ge [sflag:s8], $0x280  }
0x45: {  	[sflag:s8] =	ssyncset.done $0x0  }
0x46: {  	[sflag:s8] =	ssyncadd.s32 $0xFFFFFD80  }
0x47: {  	s18 =	simm.s32 $0x0;
	[bflag:$0x0] =	sbarrier.arrive $0xFFFF  }
.LBB2_2:
0x48: {  	p0 =	sne.s32 s18, $0x9E00  }
.Ltmp0:
0x49: {  	_ = 	snop;
	(pc) =	sbr.rel @p0 .LBB2_2-.Ltmp0, $3  }
0x4a: {  	_ =	sdelay $0x1  }
0x4b: {  	s19 =	sshra.s32 s18, $0x2;
	s18 =	sadd.s32 $0x200, s18  }
0x4c: {  	[spmem:s2] =	stream.indirect.scatter.add.f32 [tilespmem:s11], [sflag:$0x1], $0x1, s19, s10, $0xb8;
	[tilespmem:$0x2D80] =	vst v63  }
0x4d: {  	_ =	swait.ge [sflag:s12], $0x80  }
0x4e: {  	s18 =	simm.s32 $0x4F;
	[sflag:s12] =	ssyncset.done $0x0  }
.LBB2_4:
0x4f: {  	p0 =	sne.s32 s18, $0x1;
	s18 =	sadd.s32 $0xFFFFFFFF, s18;
	[sflag:s12] =	ssyncadd.s32 $0xFFFFFF80  }
.Ltmp1:
0x50: {  	(pc) =	sbr.rel @p0 .LBB2_4-.Ltmp1, $3  }
0x51: {  	_ =	sdelay $0x1  }
0x52: {  	_ =	swait.ge [sflag:s12], $0x80  }
0x53: {  	[sflag:s12] =	ssyncset.done $0x0  }
0x54: {  	s17 =	sadd.s32 $0x1, s17  }
0x55: {  	[sflag:s12] =	ssyncadd.s32 $0xFFFFFF80;
	p0 =	sne.s32 s17, s7  }
.Ltmp2:
0x56: {  	[bflag:$0x0] =	sbarrier.arrive $0xFFFF;
	(pc) =	sbr.rel @p0 .LBB2_1-.Ltmp2, $4  }
0x57: {  	[hbm:s6@s15], [sflag:s13] =	dma.strided [spmem:s14@s16], $0x50, s12, $0x10   }
0x58: {  	_ =	swait.ge [sflag:s8], $0x50  }
0x59: {  	[sflag:s8] =	ssyncset.done $0x0  }
0x5a: {  	[sflag:s8] =	ssyncadd.s32 $0xFFFFFFB0  }
0x5b: {  	_ =	sfence.sel $0x180000  }
0x5c: {  	[bflag:$0x0] =	sbarrier.arrive $0xFFFF  }
0x5d: {  	p0 =	sne.s32 s0, $0x0;
	_ =	strace $0x90000047  }
0x5e: {  	s0 =	sadd.s32 @!p0 $0x100000, s1;
	[bflag:$0x2] =	sbarrier.arrive $0xFFFF  }
0x5f: {  	[sflag:s0] =	ssyncadd.tile.s32 @!p0 $0x1;
	_ =	shalt  }
.Lfunc_end2:
_tile_overlayer_lowered:
.L_overlay_start_2:
0x60: {  	(tag) =	ssettag $0x2  }
0x61: {  	s0 =	rddreg [dreg:$0x0];
	s2 =	stileid.u32  }
0x62: {  	s1 =	rddreg [dreg:$0x1];
	p0 =	sne.s32 s2, $0x0  }
0x63: {  	s3 =	rddreg [dreg:$0x2];
	[bflag:$0x3] =	sbarrier.arrive $0xFFFF;
	s2 =	simm.s32 @!p0 $0x1C02  }
0x64: {  	[timem:s3], [sflag:s2] =	dma.local @!p0 [hbm:s0], s1  }
0x65: {  	s0 =	simm.s32 @!p0 $0x2  }
0x66: {  	_ =	swait.ge @!p0 [sflag:s0], s1  }
0x67: {  	s1 =	ssub.s32 @!p0 $0x0, s1;
	[sflag:s0] =	ssyncset.done @!p0 $0x0  }
0x68: {  	[sflag:s0] =	ssyncadd.s32 @!p0 s1  }
0x69: {  	[bflag:$0x3] =	sbarrier.arrive $0xFFFF  }
0x6a: {  	_ =	shalt  }

// kernel: kernel.9.cloned.1.call-start
scs
__scs_entry_jumppad:
0x0: {  	(pc) =	sbr.rel $0x88, $3  }
0x1: {  	(tag) =	ssettag $0x0;
	lr =	simm.s32 $0x1  }
0x2: {  	[smem:$0x3F9B] =	sst lr;
	_ =	strace $0xD0000000  }
0x3: {  	_ = 	snop  }
0x4: {  	_ = 	snop  }
0x5: {  	_ = 	snop  }
0x6: {  	_ = 	snop  }
0x7: {  	_ = 	snop  }
__scs_overlays_trampoline_lowered:
0x8: {  	[smem:$0x3FAA] =	sst s0  }
0x9: {  	[smem:$0x3FAB] =	sst s1  }
0xa: {  	[smem:$0x3FAC] =	sst s2  }
0xb: {  	[smem:$0x3FAD] =	sst s3  }
0xc: {  	[smem:$0x3FAE] =	sst s4  }
0xd: {  	[smem:$0x3FAF] =	sst s5  }
0xe: {  	[smem:$0x3FB0] =	sst s6  }
0xf: {  	[smem:$0x3FB1] =	sst s7  }
0x10: {  	[smem:$0x3FB2] =	sst s8  }
0x11: {  	[smem:$0x3FB3] =	sst s9;
	s0 =	simm.s32 @!p0 $0x0  }
0x12: {  	s1 =	sld [smem:$0x3F99];
	s0 =	simm.s32 @p0 $0x1  }
0x13: {  	[smem:$0x3FB4] =	sst s0;
	s0 =	simm.s32 @!p1 $0x0  }
0x14: {  	s2 =	sld [smem:$0x3F98];
	s0 =	simm.s32 @p1 $0x1  }
0x15: {  	[smem:$0x3FB5] =	sst s0;
	s0 =	simm.s32 @!p2 $0x0  }
0x16: {  	s3 =	sld [smem:$0x3FDB];
	s0 =	simm.s32 @p2 $0x1  }
0x17: {  	s4 =	simm.s32 $0x1BF5;
	[smem:$0x3FB7] =	sst s0  }
0x18: {  	s0 =	sld [smem:$0x3F9A];
	_ =	swait.ge [sflag:s4], $0x0  }
0x19: {  	s7 =	sld [smem:$0x3F9B]  }
0x1a: {  	s8 =	sadd.s32 $0xFFFFE003, lr  }
0x1b: {  	s9 =	sadd.s32 $0xFFFFFEF7, lr;
	s5 =	simm.s32 $0xFFFFFFFF;
	p2 =	slt.u32 s8, $0xFFFFF086  }
0x1c: {  	p1 =	slt.u32 s9, $0xF7A;
	s5 =	simm.s32 @!p2 $0x0  }
0x1d: {  	s5 =	simm.s32 @p1 $0x1;
	p0 =	seq.s32 s7, s2  }
0x1e: {  	s7 =	smul.u32 @!p0 $0xF7A, s2;
	p2 =	seq.s32 @!p0 s5, $0x0  }
0x1f: {  	s9 =	smul.u32 $0xF7A, s1;
	s8 =	simm.s32 @!p0 $0x1BF5;
	p2 =	por !p2, p0  }
0x20: {  	[sflag:s8] =	ssyncset.s32 @!p0 $0xFFFFF086;
	s6 =	sadd.s32 @!p0 s3, s7;
	s7 =	simm.s32 @!p0 $0x108  }
0x21: {  	s3 =	sadd.s32 s3, s9;
	s6 =	sadd.s32 @!p0 $0x88, s6;
	s7 =	simm.s32 @p2 $0x1082  }
0x22: {  	[simem:s7], [sflag:s8] =	dma.local @!p0 [hbm:s6], $0xF7A  }
0x23: {  	s9 =	sor.u32 $0xD0000000, s2;
	s6 =	simm.s32 $0x108;
	_ =	swait.ge @!p0 [sflag:s8], $0x0  }
0x24: {  	s3 =	sadd.s32 $0x88, s3;
	s6 =	simm.s32 @!p1 $0x1082;
	[sflag:s4] =	ssyncset.s32 $0xFFFFF086  }
0x25: {  	[simem:s6], [sflag:s4] =	dma.local [hbm:s3], $0xF7A  }
0x26: {  	[smem:$0x3F9B] =	sst s1;
	(tag) =	ssettag s2;
	_ =	strace s9  }
0x27: {  	s1 =	sld [smem:$0x3FAB]  }
0x28: {  	s2 =	sld [smem:$0x3FAC]  }
0x29: {  	s4 =	sld [smem:$0x3FAE]  }
0x2a: {  	p0 =	seq.s32 s5, $0x0;
	s5 =	sld [smem:$0x3FAF]  }
0x2b: {  	s6 =	sld [smem:$0x3FB0]  }
0x2c: {  	s7 =	sld [smem:$0x3FB1]  }
0x2d: {  	s3 =	simm.s32 $0x108;
	s8 =	sld [smem:$0x3FB2]  }
0x2e: {  	s3 =	simm.s32 @!p0 $0x1082;
	s9 =	sld [smem:$0x3FB3]  }
0x2f: {  	lr =	sadd.s32 s0, s3;
	s0 =	sld [smem:$0x3FAA]  }
0x30: {  	s3 =	sld [smem:$0x3FAD]  }
0x31: {  	[smem:$0x3FB6] =	sst s10  }
0x32: {  	s10 =	sld [smem:$0x3FB4];
	_ =	sdelay $0x3  }
0x33: {  	p0 =	seq.s32 s10, $0x1;
	s10 =	sld [smem:$0x3FB6];
	_ =	sdelay $0x3  }
0x34: {  	[smem:$0x3FB6] =	sst s10  }
0x35: {  	s10 =	sld [smem:$0x3FB5];
	_ =	sdelay $0x3  }
0x36: {  	p1 =	seq.s32 s10, $0x1;
	s10 =	sld [smem:$0x3FB6];
	_ =	sdelay $0x3  }
0x37: {  	[smem:$0x3FB6] =	sst s10  }
0x38: {  	s10 =	sld [smem:$0x3FB7]  }
0x39: {  	_ = 	snop;
	(pc) =	sbr.ind lr, $3  }
0x3a: {  	_ = 	snop  }
0x3b: {  	_ = 	snop  }
0x3c: {  	p2 =	seq.s32 s10, $0x1;
	s10 =	sld [smem:$0x3FB6]  }
0x3d: {  	_ =	shalt  }
0x3e: {  	_ =	shalt  }
0x3f: {  	_ =	shalt  }
0x40: {  	_ =	shalt  }
0x41: {  	_ =	shalt  }
0x42: {  	_ =	shalt  }
0x43: {  	_ =	shalt  }
0x44: {  	_ =	shalt  }
0x45: {  	_ =	shalt  }
0x46: {  	_ =	shalt  }
0x47: {  	_ =	shalt  }
0x48: {  	_ =	shalt  }
0x49: {  	_ =	shalt  }
0x4a: {  	_ =	shalt  }
0x4b: {  	_ =	shalt  }
0x4c: {  	_ =	shalt  }
0x4d: {  	_ =	shalt  }
0x4e: {  	_ =	shalt  }
0x4f: {  	_ =	shalt  }
0x50: {  	_ =	shalt  }
0x51: {  	_ =	shalt  }
0x52: {  	_ =	shalt  }
0x53: {  	_ =	shalt  }
0x54: {  	_ =	shalt  }
0x55: {  	_ =	shalt  }
0x56: {  	_ =	shalt  }
0x57: {  	_ =	shalt  }
0x58: {  	_ =	shalt  }
0x59: {  	_ =	shalt  }
0x5a: {  	_ =	shalt  }
0x5b: {  	_ =	shalt  }
0x5c: {  	_ =	shalt  }
0x5d: {  	_ =	shalt  }
0x5e: {  	_ =	shalt  }
0x5f: {  	_ =	shalt  }
0x60: {  	_ =	shalt  }
0x61: {  	_ =	shalt  }
0x62: {  	_ =	shalt  }
0x63: {  	_ =	shalt  }
0x64: {  	_ =	shalt  }
0x65: {  	_ =	shalt  }
0x66: {  	_ =	shalt  }
0x67: {  	_ =	shalt  }
0x68: {  	_ =	shalt  }
0x69: {  	_ =	shalt  }
0x6a: {  	_ =	shalt  }
0x6b: {  	_ =	shalt  }
0x6c: {  	_ =	shalt  }
0x6d: {  	_ =	shalt  }
0x6e: {  	_ =	shalt  }
0x6f: {  	_ =	shalt  }
0x70: {  	_ =	shalt  }
0x71: {  	_ =	shalt  }
0x72: {  	_ =	shalt  }
0x73: {  	_ =	shalt  }
0x74: {  	_ =	shalt  }
0x75: {  	_ =	shalt  }
0x76: {  	_ =	shalt  }
0x77: {  	_ =	shalt  }
0x78: {  	_ =	shalt  }
0x79: {  	_ =	shalt  }
0x7a: {  	_ =	shalt  }
0x7b: {  	_ =	shalt  }
0x7c: {  	_ =	shalt  }
0x7d: {  	_ =	shalt  }
0x7e: {  	_ =	shalt  }
0x7f: {  	_ =	shalt  }
0x80: {  	_ =	shalt  }
0x81: {  	_ =	shalt  }
0x82: {  	_ =	shalt  }
0x83: {  	_ =	shalt  }
0x84: {  	_ =	shalt  }
0x85: {  	_ =	shalt  }
0x86: {  	_ =	shalt  }
0x87: {  	_ =	shalt  }
.Lfunc_end0:
.L_simem_size_0:
called_computation.1_lowered:
.L_overlay_start_0:
0x88: {  	s2 =	sld [smem:$0x3FD9]  }
0x89: {  	s3 =	sld [smem:$0x3FFE];
	_ =	sdelay $0x1  }
0x8a: {  	s1 =	srdreg.scid  }
0x8b: {  	s0 =	sand.u32 $0x1, s1  }
0x8c: {  	s16 =	sshll.u32 s0, $0xA;
	s2 =	sadd.s32 s3, s2  }
0x8d: {  	s2 =	sadd.s32 s2, s16  }
0x8e: {  	[smem:$0x3FC2] =	sst s2  }
0x8f: {  	_ = 	snop  }
0x90: {  	(tm) =	ssettm $0x1  }
0x91: {  	s17 =	sld [smem:$0x3FFB];
	_ =	sdelay $0x3  }
0x92: {  	_ =	strace s17  }
0x93: {  	s2 =	sld [smem:$0x3FFC];
	_ =	sdelay $0x3  }
0x94: {  	_ =	strace s2  }
0x95: {  	s2 =	sld [smem:$0x3FFD];
	_ =	sdelay $0x3  }
0x96: {  	_ =	strace s2  }
0x97: {  	_ =	strace $0x8FFFFFFF  }
0x98: {  	s18 =	sld [smem:$0x3FDB];
	_ =	sdelay $0x1  }
0x99: {  	s19 =	simm.s32 $_scs_section_size  }
0x9a: {  	s4 =	simm.s32 $_size__tile_overlayer_lowered;
	s5 =	simm.s32 $_tile_overlayer_lowered  }
0x9b: {  	s22 =	simm.s32 $0x1BFF;
	s21 =	sshll.u32 s5, $0x1;
	s2 =	sadd.s32 s19, s18  }
0x9c: {  	s6 =	simm.s32 $0x0;
	s20 =	sshll.u32 s4, $0x1;
	s4 =	sadd.s32 s21, s2  }
0x9d: {  	[timem:s6], [sflag:s22] =	dma.local [hbm:s4], s20  }
0x9e: {  	_ =	swait.ge [sflag:s22], s20  }
0x9f: {  	s3 =	ssub.s32 $0x0, s20;
	[sflag:s22] =	ssyncset.done $0x0  }
0xa0: {  	[sflag:s22] =	ssyncadd.s32 s3;
	_ =	sdelay $0x1  }
0xa1: {  	s23 =	simm.s32 $0x1B8B  }
0xa2: {  	_ =	swait.ge [sflag:s23], $0x1  }
0xa3: {  	[sflag:s23] =	ssyncset.done $0x0  }
0xa4: {  	s25 =	simm.s32 $0x1B8E;
	s24 =	sld [smem:$0x3FFE];
	[sflag:s23] =	ssyncadd.s32 $0xFFFFFFFF  }
0xa5: {  	s26 =	simm.s32 $execute0_lowered;
	[smem:$0x3FD2] =	sst s25  }
0xa6: {  	s4 =	sshll.u32 s26, $0x1;
	_ =	strace $0x80000049;
	[dreg:$0x1] =	wrdreg $0xFFFFFFFF  }
0xa7: {  	s28 =	simm.s32 $_size_execute0_lowered;
	s2 =	sadd.s32 s2, s4;
	[dreg:$0x0] =	wrdreg $0x0  }
0xa8: {  	s4 =	sshll.u32 s28, $0x1;
	[dreg:$0x2] =	wrdreg s2  }
0xa9: {  	[dreg:$0x3] =	wrdreg s4  }
0xaa: {  	[dreg:$0x4] =	wrdreg $0xC0  }
0xab: {  	_ =	task [dreg:s6], $0x5FFFF  }
0xac: {  	[dreg:$0x1] =	wrdreg $0xFFFFFFFF  }
0xad: {  	[dreg:$0x0] =	wrdreg $0x60  }
0xae: {  	[dreg:$0x2] =	wrdreg s24  }
0xaf: {  	[dreg:$0x3] =	wrdreg $0x42000  }
0xb0: {  	[dreg:$0x4] =	wrdreg $0xDE400  }
0xb1: {  	[dreg:$0x5] =	wrdreg $0x9  }
0xb2: {  	_ =	task.clear_ibuf [dreg:s6], $0x6FFFF;
	_ =	strace $0x90000049  }
0xb3: {  	s29 =	simm.s32 $0x9;
	_ =	strace $0x8000004B  }
0xb4: {  	_ =	swait.ge [sflag:s29], $0x1  }
0xb5: {  	[sflag:s29] =	ssyncadd.s32 $0xFFFFFFFF  }
0xb6: {  	_ =	strace $0x9000004B  }
0xb7: {  	_ =	sfence  }
0xb8: {  	s30 =	sld [smem:$0x0];
	_ =	sdelay $0x2  }
0xb9: {  	s31 =	sshll.u32 s1, $0xD;
	s1 =	sshrl.u32 s1, $0x2  }
0xba: {  	s3 =	sand.u32 $0x4000, s31;
	s1 =	sadd.s32 s1, s30  }
0xbb: {  	s0 =	sor.u32 s3, s0;
	s1 =	sshll.u32 s1, $0x11  }
0xbc: {  	s0 =	sor.u32 s1, s0  }
0xbd: {  	s0 =	sadd.s32 $0x8F2B, s0  }
0xbe: {  	[sflag:s0] =	ssyncadd.remote.s32 $0x1  }
0xbf: {  	_ =	sfence.sel $0xFFFF  }
0xc0: {  	[dreg:$0x0] =	wrdreg $0xFFFFFFFF;
	(pc) =	sbr.abs _section_cstart, $3  }
0xc1: {  	[dreg:$0x1] =	wrdreg $0xFFFFFFFF  }
0xc2: {  	_ =	task.clear_ibuf [dreg:s6], $0x2FFFF;
	_ =	strace $0x9FFFFFFF  }
0xc3: {  	(tm) =	ssettm $0x7FFFFFFF  }
tec
execute0_lowered:
.L_overlay_start_1:
0x0: {  	(tag) =	ssettag $0x1  }
0x1: {  	s0 =	rddreg [dreg:$0x0]  }
0x2: {  	s1 =	rddreg [dreg:$0x1]  }
0x3: {  	s2 =	rddreg [dreg:$0x2];
	s3 =	srdreg.scid  }
0x4: {  	s12 =	stileid.u32;
	s4 =	simm.s32 $0x0;
	s28 =	simm.s32 $0x100  }
0x5: {  	s29 =	simm.s32 $0x180;
	s30 =	simm.s32 $0x1;
	s31 =	simm.s32 $0x3  }
0x6: {  	s3 =	sand.u32 $0x1, s3;
	s5 =	smul.u32 $0xA000, s12;
	[smem:$0x7FF] =	sst s4  }
0x7: {  	s13 =	sadd.s32 $0x28E00, s0;
	s15 =	sadd.s32 $0x15400, s0;
	s10 =	smul.u32 $0x9C00, s12  }
0x8: {  	s7 =	sadd.s32 $0xB400, s0;
	s8 =	sadd.s32 $0x1400, s0;
	s11 =	smul.u32 $0x28000, s12  }
0x9: {  	s24 =	sadd.s32 $0x9C000, s1;
	s14 =	smul.u32 $0x5000, s12;
	p1 =	sne.s32 s12, $0x0  }
0xa: {  	p2 =	seq.s32 s12, $0x0;
	s6 =	smul.u32 $0xA0000, s3;
	_ =	strace $0x8000004A  }
0xb: {  	s9 =	ssub.s32 $0x2, s3;
	p0 =	seq.s32 s3, $0x1;
	[dreg:$0x4] =	wrdreg s13  }
0xc: {  	[dreg:$0x5] =	wrdreg s15;
	s25 =	sshrl.u32 s9, $0x1;
	s26 =	sshrl.u32 s10, $0x3  }
0xd: {  	s16 =	sadd.s32 s10, s1;
	s18 =	sshrl.u32 s11, $0x2;
	s10 =	sadd.s32 s5, s2  }
0xe: {  	s22 =	sshrl.u32 s14, $0x3;
	s6 =	sadd.s32 s5, s6;
	[dreg:$0x6] =	wrdreg s16  }
0xf: {  	s17 =	sadd.s32 s13, s26;
	s3 =	sadd.s32 s15, s26;
	s15 =	sadd.s32 s7, s22  }
0x10: {  	s23 =	sor.u32 $0x10, s22;
	s26 =	sshrl.u32 s24, $0x3;
	[dreg:$0x7] =	wrdreg s17  }
0x11: {  	s24 =	simm.s32 $0x2;
	s6 =	sshrl.u32 s6, $0x3;
	[dreg:$0x8] =	wrdreg s3  }
0x12: {  	s16 =	sadd.s32 s7, s23;
	s17 =	sadd.s32 s8, s22;
	[dreg:$0xc] =	wrdreg s26  }
0x13: {  	s0 =	sadd.s32 s6, s0;
	s6 =	ssub.s32 s9, s25;
	s9 =	sadd.s32 s18, s2  }
0x14: {  	s26 =	simm.s32 $0x80;
	s25 =	smul.u32 $0xA00, s12;
	s19 =	sadd.s32 $0x2000, s9  }
0x15: {  	s18 =	sadd.s32 s8, s23;
	s20 =	sadd.s32 $0x4000, s9;
	[dreg:$0x9] =	wrdreg s19  }
0x16: {  	s23 =	simm.s32 $0x4;
	s21 =	sadd.s32 $0x6000, s9;
	[dreg:$0xa] =	wrdreg s20  }
0x17: {  	s14 =	sadd.s32 $0x8000, s9;
	[dreg:$0xb] =	wrdreg s21;
	s19 =	sadd.s32 $0x3C800, s0  }
0x18: {  	s20 =	smax.u32 s6, $0x1;
	s21 =	sadd.s32 s25, s8;
	s22 =	sadd.s32 s25, s7  }
0x19: {  	v0 =	vimm.f32 $0.0e+00;
	s25 =	simm.s32 $0x200;
	s0 =	simm.s32 $0x2200;
	s8 =	simm.s32 $0x0  }
.LBB2_1:
.Ltmp0:
0x1a: {  	(pc) =	sbr.rel @!p0 .LBB2_2-.Ltmp0, $4  }
0x1b: {  	_ = 	snop  }
0x1c: {  	s3 =	stileid.u32  }
0x1d: {  	s13 =	rddreg [dreg:$0x6];
	s9 =	sshll.u32 s3, $0x6  }
0x1e: {  	s5 =	sshrl.u32 s13, $0x3;
	s3 =	sor.u32 $0x1C04, s9  }
0x1f: {  	s3 =	sor.u32 $0x1C04, s9;
	s6 =	rddreg [dreg:$0x8]  }
0x20: {  	[spmem:s5], [sflag:s3] =	dma.local [hbm:s6], $0x1380  }
.Ltmp1:
0x21: {  	_ = 	snop;
	(pc) =	sbr.rel @p1 .LBB2_5-.Ltmp1, $4  }
.Ltmp2:
0x22: {  	_ = 	snop;
	(pc) =	sbr.rel @!p1 .LBB2_4-.Ltmp2, $4  }
0x23: {  	_ =	swait.ge [sflag:s23], $0x1380  }
0x24: {  	[sflag:s23] =	ssyncset.done $0x0  }
0x25: {  	s5 =	rddreg [dreg:$0x5];
	[sflag:s23] =	ssyncadd.s32 $0xFFFFEC80  }
0x26: {  	_ = 	snop  }
.LBB2_2:
.Ltmp3:
0x27: {  	s6 =	rddreg [dreg:$0x7];
	(pc) =	sbr.rel @!p2 .LBB2_5-.Ltmp3, $4  }
0x28: {  	[spmem:s5], [sflag:s3] =	dma.local [hbm:s6], $0x1380  }
0x29: {  	_ =	swait.ge [sflag:s23], $0x1380  }
0x2a: {  	[sflag:s23] =	ssyncset.done $0x0  }
0x2b: {  	s5 =	rddreg [dreg:$0x4];
	[sflag:s23] =	ssyncadd.s32 $0xFFFFEC80  }
.LBB2_4:
0x2c: {  	s5 =	sadd.s32 $0x13800, s5;
	s6 =	rddreg [dreg:$0xc]  }
0x2d: {  	[spmem:s6], [sflag:s3] =	dma.local [hbm:s5], $0x80  }
0x2e: {  	_ =	swait.ge [sflag:s23], $0x80  }
0x2f: {  	[sflag:s23] =	ssyncset.done $0x0  }
0x30: {  	[sflag:s23] =	ssyncadd.s32 $0xFFFFFF80  }
.LBB2_5:
0x31: {  	s5 =	simm.s32 $0x100;
	s3 =	simm.s32 $0x0  }
.LBB2_6:
0x32: {  	p3 =	sne.s32 s5, $0x7F00;
	[tilespmem:s3+$0x230] =	vst v0;
	s6 =	smov.u32 s5;
	s5 =	sadd.s32 $0x100, s5  }
.Ltmp4:
0x33: {  	[tilespmem:s3+$0x220] =	vst v0;
	(pc) =	sbr.rel @p3 .LBB2_6-.Ltmp4, $3  }
0x34: {  	[tilespmem:s3+$0x200] =	vst v0  }
0x35: {  	[tilespmem:s3+$0x210] =	vst v0;
	_ =	sdelay $0x1  }
0x36: {  	s3 =	sshra.s32 s6, $0x2  }
0x37: {  	[tilespmem:s3+$0x230] =	vst v0  }
0x38: {  	[tilespmem:s3+$0x220] =	vst v0  }
0x39: {  	[tilespmem:s3+$0x200] =	vst v0  }
0x3a: {  	[tilespmem:s3+$0x210] =	vst v0  }
0x3b: {  	[spmem:s10] =	stream.linear.scatter [tilespmem:s25], [sflag:$0x4], $0x2000, $0x38;
	[tilespmem:$0x17E40] =	vst v63  }
0x3c: {  	_ =	swait.ge [sflag:s23], $0x2000  }
0x3d: {  	[sflag:s23] =	ssyncset.done $0x0  }
0x3e: {  	s5 =	rddreg [dreg:$0x9];
	[sflag:s23] =	ssyncadd.s32 $0xFFFFE000  }
0x3f: {  	[spmem:s5] =	stream.linear.scatter [tilespmem:s25], [sflag:$0x4], $0x2000, $0x38;
	[tilespmem:$0x17E40] =	vst v63  }
0x40: {  	_ =	swait.ge [sflag:s23], $0x2000  }
0x41: {  	[sflag:s23] =	ssyncset.done $0x0  }
0x42: {  	s6 =	rddreg [dreg:$0xa];
	[sflag:s23] =	ssyncadd.s32 $0xFFFFE000  }
0x43: {  	[spmem:s6] =	stream.linear.scatter [tilespmem:s25], [sflag:$0x4], $0x2000, $0x38;
	[tilespmem:$0x17E40] =	vst v63  }
0x44: {  	_ =	swait.ge [sflag:s23], $0x2000  }
0x45: {  	[sflag:s23] =	ssyncset.done $0x0  }
0x46: {  	s7 =	rddreg [dreg:$0xb];
	[sflag:s23] =	ssyncadd.s32 $0xFFFFE000  }
0x47: {  	[spmem:s7] =	stream.linear.scatter [tilespmem:s25], [sflag:$0x4], $0x2000, $0x38;
	[tilespmem:$0x17E40] =	vst v63  }
0x48: {  	_ =	swait.ge [sflag:s23], $0x2000  }
0x49: {  	[sflag:s23] =	ssyncset.done $0x0  }
0x4a: {  	[sflag:s23] =	ssyncadd.s32 $0xFFFFE000  }
0x4b: {  	[spmem:s14] =	stream.linear.scatter [tilespmem:s25], [sflag:$0x4], $0x2000, $0x38;
	[tilespmem:$0x17E40] =	vst v63  }
0x4c: {  	_ =	swait.ge [sflag:s23], $0x2000  }
0x4d: {  	[sflag:s23] =	ssyncset.done $0x0  }
0x4e: {  	[sflag:s23] =	ssyncadd.s32 $0xFFFFE000  }
0x4f: {  	[tilespmem:s4], [sflag:$0x1] =	stream.linear.gather [hbm4b:s15+s4], $0x80, $0x38;
	[tilespmem:$0x17E40] =	vst v63  }
0x50: {  	_ = 	snop  }
0x51: {  	[tilespmem:s26], [sflag:$0x1] =	stream.linear.gather [hbm4b:s16+s4], $0x80, $0x38;
	[tilespmem:$0x17E40] =	vst v63  }
0x52: {  	_ = 	snop  }
0x53: {  	[tilespmem:s28], [sflag:$0x2] =	stream.linear.gather [hbm4b:s17+s4], $0x80, $0x38;
	[tilespmem:$0x17E40] =	vst v63  }
0x54: {  	_ = 	snop  }
0x55: {  	[tilespmem:s29], [sflag:$0x2] =	stream.linear.gather [hbm4b:s18+s4], $0x80, $0x38;
	[tilespmem:$0x17E40] =	vst v63  }
0x56: {  	[bflag:$0x0] =	sbarrier.arrive $0xFFFF  }
0x57: {  	_ =	swait.ge [sflag:s30], $0x80  }
0x58: {  	[sflag:s30] =	ssyncset.done $0x0  }
0x59: {  	[sflag:s30] =	ssyncadd.s32 $0xFFFFFF80  }
0x5a: {  	[tilespmem:s25], [sflag:$0x3] =	stream.indirect.gather [spmem:s1], $0x40, s4, s26, $0xb8;
	[tilespmem:$0x17E40] =	vst v63  }
0x5b: {  	_ =	swait.ge [sflag:s31], $0x2000  }
0x5c: {  	[sflag:s31] =	ssyncset.done $0x0  }
0x5d: {  	[sflag:s31] =	ssyncadd.s32 $0xFFFFE000  }
0x5e: {  	_ =	swait.ge [sflag:s30], $0x80  }
0x5f: {  	[sflag:s30] =	ssyncset.done $0x0  }
0x60: {  	s11 =	sadd.s32 $0xFFFFF620, s22;
	[sflag:s30] =	ssyncadd.s32 $0xFFFFFF80  }
0x61: {  	[tilespmem:s0], [sflag:$0x3] =	stream.indirect.gather [spmem:s1], $0x40, s26, s26, $0xb8;
	[tilespmem:$0x17E40] =	vst v63  }
0x62: {  	s5 =	sadd.s32 $0xA00, s11  }
0x63: {  	[tilespmem:s4], [sflag:$0x1] =	stream.linear.gather [hbm4b:s5+s4], $0x80, $0x38;
	[tilespmem:$0x17E40] =	vst v63  }
0x64: {  	_ =	swait.ge [sflag:s24], $0x80  }
0x65: {  	[sflag:s24] =	ssyncset.done $0x0  }
0x66: {  	[sflag:s24] =	ssyncadd.s32 $0xFFFFFF80  }
0x67: {  	[spmem:s2] =	stream.indirect.scatter.add.f32 [tilespmem:s25], [sflag:$0x4], $0x40, s28, s26, $0xb8;
	[tilespmem:$0x17E40] =	vst v63  }
0x68: {  	_ =	swait.ge [sflag:s23], $0x2000  }
0x69: {  	s12 =	sadd.s32 $0xFFFFF620, s21;
	[sflag:s23] =	ssyncset.done $0x0  }
0x6a: {  	s6 =	sadd.s32 $0xA00, s12;
	[sflag:s23] =	ssyncadd.s32 $0xFFFFE000  }
0x6b: {  	[tilespmem:s28], [sflag:$0x2] =	stream.linear.gather [hbm4b:s6+s4], $0x80, $0x38;
	[tilespmem:$0x17E40] =	vst v63  }
0x6c: {  	_ =	swait.ge [sflag:s31], $0x2000  }
0x6d: {  	[sflag:s31] =	ssyncset.done $0x0  }
0x6e: {  	[sflag:s31] =	ssyncadd.s32 $0xFFFFE000  }
0x6f: {  	_ =	swait.ge [sflag:s30], $0x80  }
0x70: {  	[sflag:s30] =	ssyncset.done $0x0  }
0x71: {  	[sflag:s30] =	ssyncadd.s32 $0xFFFFFF80  }
0x72: {  	[tilespmem:s25], [sflag:$0x3] =	stream.indirect.gather [spmem:s1], $0x40, s4, s26, $0xb8;
	[tilespmem:$0x17E40] =	vst v63  }
0x73: {  	s3 =	sadd.s32 $0xA10, s11  }
0x74: {  	[tilespmem:s26], [sflag:$0x1] =	stream.linear.gather [hbm4b:s3+s4], $0x80, $0x38;
	[tilespmem:$0x17E40] =	vst v63  }
0x75: {  	_ =	swait.ge [sflag:s24], $0x80  }
0x76: {  	[sflag:s24] =	ssyncset.done $0x0  }
0x77: {  	[sflag:s24] =	ssyncadd.s32 $0xFFFFFF80  }
0x78: {  	[spmem:s2] =	stream.indirect.scatter.add.f32 [tilespmem:s0], [sflag:$0x4], $0x40, s29, s26, $0xb8;
	[tilespmem:$0x17E40] =	vst v63  }
0x79: {  	_ =	swait.ge [sflag:s23], $0x2000  }
0x7a: {  	[sflag:s23] =	ssyncset.done $0x0  }
0x7b: {  	s13 =	sadd.s32 $0xA10, s12;
	[sflag:s23] =	ssyncadd.s32 $0xFFFFE000  }
0x7c: {  	[tilespmem:s29], [sflag:$0x2] =	stream.linear.gather [hbm4b:s13+s4], $0x80, $0x38;
	[tilespmem:$0x17E40] =	vst v63  }
0x7d: {  	_ =	swait.ge [sflag:s31], $0x2000  }
0x7e: {  	[sflag:s31] =	ssyncset.done $0x0  }
0x7f: {  	[sflag:s31] =	ssyncadd.s32 $0xFFFFE000  }
0x80: {  	_ =	swait.ge [sflag:s30], $0x80  }
0x81: {  	s5 =	sadd.s32 $0xFFFFF640, s22;
	[sflag:s30] =	ssyncset.done $0x0  }
0x82: {  	s6 =	simm.s32 $0xFFFFF640;
	s3 =	simm.s32 $0xFFFFF660;
	[sflag:s30] =	ssyncadd.s32 $0xFFFFFF80  }
.LBB2_8:
0x83: {  	[tilespmem:s0], [sflag:$0x3] =	stream.indirect.gather [spmem:s1], $0x40, s26, s26, $0xb8;
	[tilespmem:$0x17E40] =	vst v63  }
0x84: {  	s11 =	smov.u32 s3  }
0x85: {  	s7 =	sadd.s32 $0x20, s3;
	s13 =	sadd.s32 $0xA00, s5;
	s12 =	sadd.s32 s11, s22  }
0x86: {  	[tilespmem:s4], [sflag:$0x1] =	stream.linear.gather [hbm4b:s13+s4], $0x80, $0x38;
	[tilespmem:$0x17E40] =	vst v63  }
0x87: {  	p3 =	sne.s32 s3, $0xFFFFFFE0;
	_ =	swait.ge [sflag:s24], $0x80  }
0x88: {  	[sflag:s24] =	ssyncset.done $0x0  }
0x89: {  	[sflag:s24] =	ssyncadd.s32 $0xFFFFFF80  }
0x8a: {  	[spmem:s2] =	stream.indirect.scatter.add.f32 [tilespmem:s25], [sflag:$0x4], $0x40, s28, s26, $0xb8;
	[tilespmem:$0x17E40] =	vst v63  }
0x8b: {  	_ =	swait.ge [sflag:s23], $0x2000  }
0x8c: {  	s3 =	sadd.s32 s6, s21;
	s6 =	smov.u32 s11;
	[sflag:s23] =	ssyncset.done $0x0  }
0x8d: {  	s11 =	sadd.s32 $0xA00, s3;
	[sflag:s23] =	ssyncadd.s32 $0xFFFFE000  }
0x8e: {  	[tilespmem:s28], [sflag:$0x2] =	stream.linear.gather [hbm4b:s11+s4], $0x80, $0x38;
	[tilespmem:$0x17E40] =	vst v63  }
0x8f: {  	_ =	swait.ge [sflag:s31], $0x2000  }
0x90: {  	[sflag:s31] =	ssyncset.done $0x0  }
0x91: {  	[sflag:s31] =	ssyncadd.s32 $0xFFFFE000  }
0x92: {  	_ =	swait.ge [sflag:s30], $0x80  }
0x93: {  	[sflag:s30] =	ssyncset.done $0x0  }
0x94: {  	[sflag:s30] =	ssyncadd.s32 $0xFFFFFF80  }
0x95: {  	[tilespmem:s25], [sflag:$0x3] =	stream.indirect.gather [spmem:s1], $0x40, s4, s26, $0xb8;
	[tilespmem:$0x17E40] =	vst v63  }
0x96: {  	s11 =	sadd.s32 $0xA10, s5;
	s5 =	smov.u32 s12  }
0x97: {  	[tilespmem:s26], [sflag:$0x1] =	stream.linear.gather [hbm4b:s11+s4], $0x80, $0x38;
	[tilespmem:$0x17E40] =	vst v63  }
0x98: {  	_ =	swait.ge [sflag:s24], $0x80  }
0x99: {  	[sflag:s24] =	ssyncset.done $0x0  }
0x9a: {  	[sflag:s24] =	ssyncadd.s32 $0xFFFFFF80  }
0x9b: {  	[spmem:s2] =	stream.indirect.scatter.add.f32 [tilespmem:s0], [sflag:$0x4], $0x40, s29, s26, $0xb8;
	[tilespmem:$0x17E40] =	vst v63  }
0x9c: {  	_ =	swait.ge [sflag:s23], $0x2000  }
0x9d: {  	[sflag:s23] =	ssyncset.done $0x0  }
0x9e: {  	s3 =	sadd.s32 $0xA10, s3;
	[sflag:s23] =	ssyncadd.s32 $0xFFFFE000  }
0x9f: {  	[tilespmem:s29], [sflag:$0x2] =	stream.linear.gather [hbm4b:s3+s4], $0x80, $0x38;
	[tilespmem:$0x17E40] =	vst v63  }
0xa0: {  	_ =	swait.ge [sflag:s31], $0x2000  }
.Ltmp5:
0xa1: {  	[sflag:s31] =	ssyncset.done $0x0;
	(pc) =	sbr.rel @p3 .LBB2_8-.Ltmp5, $4  }
0xa2: {  	[sflag:s31] =	ssyncadd.s32 $0xFFFFE000  }
0xa3: {  	_ =	swait.ge [sflag:s30], $0x80  }
0xa4: {  	[sflag:s30] =	ssyncset.done $0x0  }
0xa5: {  	s3 =	smov.u32 s7;
	[sflag:s30] =	ssyncadd.s32 $0xFFFFFF80  }
0xa6: {  	[tilespmem:s0], [sflag:$0x3] =	stream.indirect.gather [spmem:s1], $0x40, s26, s26, $0xb8;
	[tilespmem:$0x17E40] =	vst v63  }
0xa7: {  	s3 =	sadd.s32 $0xA00, s5  }
0xa8: {  	[tilespmem:s4], [sflag:$0x1] =	stream.linear.gather [hbm4b:s3+s4], $0x80, $0x38;
	[tilespmem:$0x17E40] =	vst v63  }
0xa9: {  	_ =	swait.ge [sflag:s24], $0x80  }
0xaa: {  	[sflag:s24] =	ssyncset.done $0x0  }
0xab: {  	[sflag:s24] =	ssyncadd.s32 $0xFFFFFF80  }
0xac: {  	[spmem:s2] =	stream.indirect.scatter.add.f32 [tilespmem:s25], [sflag:$0x4], $0x40, s28, s26, $0xb8;
	[tilespmem:$0x17E40] =	vst v63  }
0xad: {  	_ =	swait.ge [sflag:s23], $0x2000  }
0xae: {  	s7 =	sadd.s32 s6, s21;
	[sflag:s23] =	ssyncset.done $0x0  }
0xaf: {  	s6 =	sadd.s32 $0xA00, s7;
	[sflag:s23] =	ssyncadd.s32 $0xFFFFE000  }
0xb0: {  	[tilespmem:s28], [sflag:$0x2] =	stream.linear.gather [hbm4b:s6+s4], $0x80, $0x38;
	[tilespmem:$0x17E40] =	vst v63  }
0xb1: {  	_ =	swait.ge [sflag:s31], $0x2000  }
0xb2: {  	[sflag:s31] =	ssyncset.done $0x0  }
0xb3: {  	[sflag:s31] =	ssyncadd.s32 $0xFFFFE000  }
0xb4: {  	_ =	swait.ge [sflag:s30], $0x80  }
0xb5: {  	[sflag:s30] =	ssyncset.done $0x0  }
0xb6: {  	[sflag:s30] =	ssyncadd.s32 $0xFFFFFF80  }
0xb7: {  	[tilespmem:s25], [sflag:$0x3] =	stream.indirect.gather [spmem:s1], $0x40, s4, s26, $0xb8;
	[tilespmem:$0x17E40] =	vst v63  }
0xb8: {  	s11 =	sadd.s32 $0xA10, s5  }
0xb9: {  	[tilespmem:s26], [sflag:$0x1] =	stream.linear.gather [hbm4b:s11+s4], $0x80, $0x38;
	[tilespmem:$0x17E40] =	vst v63  }
0xba: {  	_ =	swait.ge [sflag:s24], $0x80  }
0xbb: {  	[sflag:s24] =	ssyncset.done $0x0  }
0xbc: {  	[sflag:s24] =	ssyncadd.s32 $0xFFFFFF80  }
0xbd: {  	[spmem:s2] =	stream.indirect.scatter.add.f32 [tilespmem:s0], [sflag:$0x4], $0x40, s29, s26, $0xb8;
	[tilespmem:$0x17E40] =	vst v63  }
0xbe: {  	_ =	swait.ge [sflag:s23], $0x2000  }
0xbf: {  	[sflag:s23] =	ssyncset.done $0x0  }
0xc0: {  	s3 =	sadd.s32 $0xA10, s7;
	[sflag:s23] =	ssyncadd.s32 $0xFFFFE000  }
0xc1: {  	[tilespmem:s29], [sflag:$0x2] =	stream.linear.gather [hbm4b:s3+s4], $0x80, $0x38;
	[tilespmem:$0x17E40] =	vst v63  }
0xc2: {  	_ =	swait.ge [sflag:s31], $0x2000  }
0xc3: {  	[sflag:s31] =	ssyncset.done $0x0  }
0xc4: {  	[sflag:s31] =	ssyncadd.s32 $0xFFFFE000  }
0xc5: {  	_ =	swait.ge [sflag:s30], $0x80  }
0xc6: {  	[sflag:s30] =	ssyncset.done $0x0  }
0xc7: {  	[sflag:s30] =	ssyncadd.s32 $0xFFFFFF80  }
0xc8: {  	[tilespmem:s0], [sflag:$0x3] =	stream.indirect.gather [spmem:s1], $0x40, s26, s26, $0xb8;
	[tilespmem:$0x17E40] =	vst v63  }
0xc9: {  	_ =	swait.ge [sflag:s24], $0x80  }
0xca: {  	[sflag:s24] =	ssyncset.done $0x0  }
0xcb: {  	[sflag:s24] =	ssyncadd.s32 $0xFFFFFF80  }
0xcc: {  	[spmem:s2] =	stream.indirect.scatter.add.f32 [tilespmem:s25], [sflag:$0x4], $0x40, s28, s26, $0xb8;
	[tilespmem:$0x17E40] =	vst v63  }
0xcd: {  	_ =	swait.ge [sflag:s23], $0x2000  }
0xce: {  	[sflag:s23] =	ssyncset.done $0x0  }
0xcf: {  	[sflag:s23] =	ssyncadd.s32 $0xFFFFE000  }
0xd0: {  	_ =	swait.ge [sflag:s31], $0x2000  }
0xd1: {  	[sflag:s31] =	ssyncset.done $0x0  }
0xd2: {  	[sflag:s31] =	ssyncadd.s32 $0xFFFFE000  }
0xd3: {  	_ =	swait.ge [sflag:s24], $0x80  }
0xd4: {  	[sflag:s24] =	ssyncset.done $0x0  }
0xd5: {  	[sflag:s24] =	ssyncadd.s32 $0xFFFFFF80  }
0xd6: {  	[spmem:s2] =	stream.indirect.scatter.add.f32 [tilespmem:s0], [sflag:$0x4], $0x40, s29, s26, $0xb8;
	[tilespmem:$0x17E40] =	vst v63  }
0xd7: {  	_ =	swait.ge [sflag:s23], $0x2000  }
0xd8: {  	s8 =	sadd.s32 $0x1, s8;
	[sflag:s23] =	ssyncset.done $0x0  }
0xd9: {  	s12 =	sor.u32 $0x1C04, s9;
	p3 =	sne.s32 s8, s20;
	[sflag:s23] =	ssyncadd.s32 $0xFFFFE000  }
.Ltmp6:
0xda: {  	s13 =	sshrl.u32 s10, $0x3;
	[bflag:$0x0] =	sbarrier.arrive $0xFFFF;
	(pc) =	sbr.rel @p3 .LBB2_1-.Ltmp6, $4  }
0xdb: {  	[hbm:s19], [sflag:s12] =	dma.local [spmem:s13], $0x1400  }
0xdc: {  	_ =	swait.ge [sflag:s23], $0x1400  }
0xdd: {  	[sflag:s23] =	ssyncset.done $0x0  }
0xde: {  	[sflag:s23] =	ssyncadd.s32 $0xFFFFEC00  }
0xdf: {  	_ =	sfence.sel $0x180000  }
0xe0: {  	[bflag:$0x0] =	sbarrier.arrive $0xFFFF  }
0xe1: {  	_ =	strace $0x9000004A  }
0xe2: {  	[bflag:$0x2] =	sbarrier.arrive $0xFFFF  }
0xe3: {  	s0 =	rddreg [dreg:$0x3]  }
0xe4: {  	s0 =	sadd.s32 @!p1 $0x100000, s0  }
0xe5: {  	[sflag:s0] =	ssyncadd.tile.s32 @!p1 $0x1;
	_ =	shalt  }
.Lfunc_end2:
_tile_overlayer_lowered:
.L_overlay_start_2:
0xe6: {  	(tag) =	ssettag $0x2  }
0xe7: {  	s0 =	rddreg [dreg:$0x0];
	s2 =	stileid.u32  }
0xe8: {  	s1 =	rddreg [dreg:$0x1];
	p0 =	sne.s32 s2, $0x0  }
0xe9: {  	s3 =	rddreg [dreg:$0x2];
	[bflag:$0x3] =	sbarrier.arrive $0xFFFF;
	s2 =	simm.s32 @!p0 $0x1C04  }
0xea: {  	[timem:s3], [sflag:s2] =	dma.local @!p0 [hbm:s0], s1  }
0xeb: {  	s0 =	simm.s32 @!p0 $0x4  }
0xec: {  	_ =	swait.ge @!p0 [sflag:s0], s1  }
0xed: {  	s1 =	ssub.s32 @!p0 $0x0, s1;
	[sflag:s0] =	ssyncset.done @!p0 $0x0  }
0xee: {  	[sflag:s0] =	ssyncadd.s32 @!p0 s1  }
0xef: {  	[bflag:$0x3] =	sbarrier.arrive $0xFFFF  }
0xf0: {  	_ =	shalt  }

</sc_bundles>
